<compile_context>
chip_gen: v7x
topology: tpu7x:2x2x1
jax: 0.10.2.dev20260603
libtpu: 0.0.44.dev20260713+nightly
codegen_flags: <defaults>
</compile_context>

<pallas_src>
import functools

import jax
import jax.numpy as jnp
from jax import lax
from jax.experimental import pallas as pl
from jax.experimental.pallas import tpu as pltpu
from jax.experimental.pallas import tpu_sc as plsc

_EMB = 64
_CHUNK = 128
_NW = 32
_NBUF = 4


def _gather_body(idx_hbm, table_hbm, out_hbm, idx_v, buf_v, sem_g, sem_s):
    n_chunks = idx_v.shape[0]
    wid = lax.axis_index("s") * 2 + lax.axis_index("c")
    cbase = wid * n_chunks

    pltpu.sync_copy(idx_hbm.at[pl.ds(cbase, n_chunks)], idx_v)

    def gather(b, j):
        return pltpu.make_async_copy(
            table_hbm.at[idx_v.at[j]], buf_v.at[b], sem_g.at[b])

    def write(b, j):
        return pltpu.make_async_copy(
            buf_v.at[b],
            out_hbm.at[pl.ds((cbase + j) * _CHUNK, _CHUNK)],
            sem_s.at[b])

    for b in range(_NBUF):
        gather(b, b).start()

    n_groups = n_chunks // _NBUF

    def group(g, carry):
        for b in range(_NBUF):
            j = g * _NBUF + b
            gather(b, j).wait()
            write(b, j).start()
            write(b, j).wait()
            gather(b, j + _NBUF).start()
        return carry

    lax.fori_loop(0, n_groups - 1, group, 0)

    for b in range(_NBUF):
        j = (n_groups - 1) * _NBUF + b
        gather(b, j).wait()
        write(b, j).start()
        write(b, j).wait()


def kernel(idx, table):
    bsz = idx.shape[0] * idx.shape[1]
    idx2d = idx.reshape(bsz // _CHUNK, _CHUNK).astype(jnp.int32)
    n_chunks_w = idx2d.shape[0] // _NW
    mesh = plsc.VectorSubcoreMesh(core_axis_name="c", subcore_axis_name="s")
    run = functools.partial(
        pl.kernel,
        mesh=mesh,
        compiler_params=pltpu.CompilerParams(use_tc_tiling_on_sc=False),
        out_type=jax.ShapeDtypeStruct((bsz, _EMB), jnp.float32),
        scratch_types=[
            pltpu.VMEM((n_chunks_w, _CHUNK), jnp.int32),
            pltpu.VMEM((_NBUF, _CHUNK, _EMB), jnp.float32),
            pltpu.SemaphoreType.DMA((_NBUF,)),
            pltpu.SemaphoreType.DMA((_NBUF,)),
        ],
    )(_gather_body)
    out = run(idx2d, table)
    return out.reshape(idx.shape[0], idx.shape[1], _EMB)

# --- scband reference (transcript-rebuilt; emitter-appended) ---
"""Pipeline reference for scband-label-embed-model-59270548685618 (READ-ONLY COPY).

The authoritative reference and input builder live on the scoring server;
editing this copy changes nothing except your own understanding.
"""

import jax, jax.numpy as jnp
import numpy as np

N_LABELS = 1000000
EMB_DIM = 64
BATCH = 16384
FIELDS = 26

def setup_inputs(seed: int = 0) -> dict:
    key = jax.random.key(seed)
    k_idx, k_tab = jax.random.split(key)
    idx = jax.random.randint(k_idx, (BATCH, FIELDS), 0, N_LABELS, dtype=jnp.int64 if jax.config.jax_enable_x64 else jnp.int32)
    # embedding table initialized uniform(-1e-4, 1e-4) per init_weights(scale=0.0001)
    table = jax.random.uniform(k_tab, (N_LABELS, EMB_DIM), dtype=jnp.float32, minval=-1e-4, maxval=1e-4)
    return {"idx": idx, "table": table}

def reference(idx, table):
    # forward: dropout(p=0) is identity; weight.clone()[idx] is a plain gather
    # (max_norm renormalization does NOT apply since weight is indexed directly,
    #  not passed through the embedding functional)
    out = jnp.take(table, idx, axis=0)
    return out

if __name__ == "__main__":
    import jax
    _d = setup_inputs()
    print(jax.jit(kernel)(*tuple(_d.values())))

</pallas_src>

<mosaic_0001>
#map = affine_map<(d0, d1) -> (0, 0)>
module attributes {stable_mosaic.version = 14 : i64} {
  func.func @_gather_body(%arg0: i32, %arg1: i32, %arg2: memref<3328x128xi32, #tpu.memory_space<hbm>>, %arg3: memref<1000000x64xf32, #tpu.memory_space<hbm>>, %arg4: memref<425984x64xf32, #tpu.memory_space<hbm>>, %arg5: memref<104x128xi32, #tpu.memory_space<vmem>>, %arg6: memref<4x128x64xf32, #tpu.memory_space<vmem>>, %arg7: memref<4x!tpu.dma_semaphore, #tpu.memory_space<semaphore_mem>>, %arg8: memref<4x!tpu.dma_semaphore, #tpu.memory_space<semaphore_mem>>) attributes {dimension_semantics = [#tpu.dimension_semantics<core_parallel>, #tpu.dimension_semantics<subcore_parallel>], iteration_bounds = array<i64: 2, 16>, scalar_prefetch = 0 : i64, scratch_operands = 4 : i64, tpu.core_type = #tpu.core_type<sc_vector_subcore>, window_params = [{transform_indices = #map}, {transform_indices = #map}, {transform_indices = #map}]} {
    %mul3A = arith.constant 2 : i32
    %mul3A_0 = arith.muli %arg1, %mul3A : i32
    %add3A = arith.addi %mul3A_0, %arg0 : i32
    %mul3A_1 = arith.constant 104 : i32
    %mul3A_2 = arith.muli %add3A, %mul3A_1 : i32
    "tpu.region"() ({
      %run_scoped3A = tpu.sem_alloc : memref<!tpu.dma_semaphore, #tpu.memory_space<semaphore_mem>>
      %dma_start3A_286 = arith.constant 0 : i32
      %dma_start3A_287 = tpu.memref_slice %arg2[%mul3A_2, %dma_start3A_286] : memref<3328x128xi32, #tpu.memory_space<hbm>> -> memref<104x128xi32, #tpu.memory_space<hbm>>
      %dma_start3A_288 = arith.constant 0 : i32
      %dma_start3A_289 = tpu.memref_slice %arg2[%mul3A_2, %dma_start3A_288] : memref<3328x128xi32, #tpu.memory_space<hbm>> -> memref<104x128xi32, #tpu.memory_space<hbm>>
      tpu.enqueue_dma source(%dma_start3A_289 : memref<104x128xi32, #tpu.memory_space<hbm>>) target(%arg5 : memref<104x128xi32, #tpu.memory_space<vmem>>) target_semaphore(%run_scoped3A : memref<!tpu.dma_semaphore, #tpu.memory_space<semaphore_mem>>)
      %dma_wait3A_290 = arith.constant 0 : i32
      %dma_wait3A_291 = tpu.memref_slice %arg2[%mul3A_2, %dma_wait3A_290] : memref<3328x128xi32, #tpu.memory_space<hbm>> -> memref<104x128xi32, #tpu.memory_space<hbm>>
      %dma_wait3A_292 = arith.constant 0 : i32
      %dma_wait3A_293 = tpu.memref_slice %arg2[%mul3A_2, %dma_wait3A_292] : memref<3328x128xi32, #tpu.memory_space<hbm>> -> memref<104x128xi32, #tpu.memory_space<hbm>>
      tpu.wait_dma2 semaphore(%run_scoped3A : memref<!tpu.dma_semaphore, #tpu.memory_space<semaphore_mem>>) src(%dma_wait3A_293 : memref<104x128xi32, #tpu.memory_space<hbm>>) dst(%arg5 : memref<104x128xi32, #tpu.memory_space<vmem>>)
      tpu.yield
    }) : () -> ()
    %dma_start3A = arith.constant 0 : i32
    %dma_start3A_3 = arith.constant 0 : i32
    %dma_start3A_4 = arith.constant 0 : i32
    %dma_start3A_5 = arith.constant 0 : i32
    %dma_start3A_6 = arith.constant 0 : i32
    %dma_start3A_7 = tpu.memref_slice %arg6[%dma_start3A_3, %dma_start3A_5, %dma_start3A_6] : memref<4x128x64xf32, #tpu.memory_space<vmem>> -> memref<1x128x64xf32, #tpu.memory_space<vmem>>
    %dma_start3A_8 = tpu.memref_squeeze %dma_start3A_7 : memref<1x128x64xf32, #tpu.memory_space<vmem>> -> memref<128x64xf32, #tpu.memory_space<vmem>>
    %dma_start3A_9 = arith.constant 0 : i32
    %dma_start3A_10 = tpu.memref_slice %arg5[%dma_start3A, %dma_start3A_9] : memref<104x128xi32, #tpu.memory_space<vmem>> -> memref<1x128xi32, #tpu.memory_space<vmem>>
    %dma_start3A_11 = tpu.memref_squeeze %dma_start3A_10 : memref<1x128xi32, #tpu.memory_space<vmem>> -> memref<128xi32, #tpu.memory_space<vmem>>
    %dma_start3A_12 = arith.constant 0 : i32
    %dma_start3A_13 = arith.constant 0 : i32
    %dma_start3A_14 = tpu.memref_slice %arg3[%dma_start3A_12, %dma_start3A_13] : memref<1000000x64xf32, #tpu.memory_space<hbm>> -> memref<1000000x64xf32, #tpu.memory_space<hbm>>
    %dma_start3A_15 = tpu.memref_slice %arg7[%dma_start3A_4] : memref<4x!tpu.dma_semaphore, #tpu.memory_space<semaphore_mem>> -> memref<1x!tpu.dma_semaphore, #tpu.memory_space<semaphore_mem>>
    %dma_start3A_16 = tpu.memref_squeeze %dma_start3A_15 : memref<1x!tpu.dma_semaphore, #tpu.memory_space<semaphore_mem>> -> memref<!tpu.dma_semaphore, #tpu.memory_space<semaphore_mem>>
    tpu.enqueue_indirect_dma source(%dma_start3A_14 : memref<1000000x64xf32, #tpu.memory_space<hbm>>) target(%dma_start3A_8 : memref<128x64xf32, #tpu.memory_space<vmem>>) offsets(%dma_start3A_11 : memref<128xi32, #tpu.memory_space<vmem>>) semaphore(%dma_start3A_16 : memref<!tpu.dma_semaphore, #tpu.memory_space<semaphore_mem>>)
    %dma_start3A_17 = arith.constant 1 : i32
    %dma_start3A_18 = arith.constant 1 : i32
    %dma_start3A_19 = arith.constant 1 : i32
    %dma_start3A_20 = arith.constant 0 : i32
    %dma_start3A_21 = arith.constant 0 : i32
    %dma_start3A_22 = tpu.memref_slice %arg6[%dma_start3A_18, %dma_start3A_20, %dma_start3A_21] : memref<4x128x64xf32, #tpu.memory_space<vmem>> -> memref<1x128x64xf32, #tpu.memory_space<vmem>>
    %dma_start3A_23 = tpu.memref_squeeze %dma_start3A_22 : memref<1x128x64xf32, #tpu.memory_space<vmem>> -> memref<128x64xf32, #tpu.memory_space<vmem>>
    %dma_start3A_24 = arith.constant 0 : i32
    %dma_start3A_25 = tpu.memref_slice %arg5[%dma_start3A_17, %dma_start3A_24] : memref<104x128xi32, #tpu.memory_space<vmem>> -> memref<1x128xi32, #tpu.memory_space<vmem>>
    %dma_start3A_26 = tpu.memref_squeeze %dma_start3A_25 : memref<1x128xi32, #tpu.memory_space<vmem>> -> memref<128xi32, #tpu.memory_space<vmem>>
    %dma_start3A_27 = arith.constant 0 : i32
    %dma_start3A_28 = arith.constant 0 : i32
    %dma_start3A_29 = tpu.memref_slice %arg3[%dma_start3A_27, %dma_start3A_28] : memref<1000000x64xf32, #tpu.memory_space<hbm>> -> memref<1000000x64xf32, #tpu.memory_space<hbm>>
    %dma_start3A_30 = tpu.memref_slice %arg7[%dma_start3A_19] : memref<4x!tpu.dma_semaphore, #tpu.memory_space<semaphore_mem>> -> memref<1x!tpu.dma_semaphore, #tpu.memory_space<semaphore_mem>>
    %dma_start3A_31 = tpu.memref_squeeze %dma_start3A_30 : memref<1x!tpu.dma_semaphore, #tpu.memory_space<semaphore_mem>> -> memref<!tpu.dma_semaphore, #tpu.memory_space<semaphore_mem>>
    tpu.enqueue_indirect_dma source(%dma_start3A_29 : memref<1000000x64xf32, #tpu.memory_space<hbm>>) target(%dma_start3A_23 : memref<128x64xf32, #tpu.memory_space<vmem>>) offsets(%dma_start3A_26 : memref<128xi32, #tpu.memory_space<vmem>>) semaphore(%dma_start3A_31 : memref<!tpu.dma_semaphore, #tpu.memory_space<semaphore_mem>>)
    %dma_start3A_32 = arith.constant 2 : i32
    %dma_start3A_33 = arith.constant 2 : i32
    %dma_start3A_34 = arith.constant 2 : i32
    %dma_start3A_35 = arith.constant 0 : i32
    %dma_start3A_36 = arith.constant 0 : i32
    %dma_start3A_37 = tpu.memref_slice %arg6[%dma_start3A_33, %dma_start3A_35, %dma_start3A_36] : memref<4x128x64xf32, #tpu.memory_space<vmem>> -> memref<1x128x64xf32, #tpu.memory_space<vmem>>
    %dma_start3A_38 = tpu.memref_squeeze %dma_start3A_37 : memref<1x128x64xf32, #tpu.memory_space<vmem>> -> memref<128x64xf32, #tpu.memory_space<vmem>>
    %dma_start3A_39 = arith.constant 0 : i32
    %dma_start3A_40 = tpu.memref_slice %arg5[%dma_start3A_32, %dma_start3A_39] : memref<104x128xi32, #tpu.memory_space<vmem>> -> memref<1x128xi32, #tpu.memory_space<vmem>>
    %dma_start3A_41 = tpu.memref_squeeze %dma_start3A_40 : memref<1x128xi32, #tpu.memory_space<vmem>> -> memref<128xi32, #tpu.memory_space<vmem>>
    %dma_start3A_42 = arith.constant 0 : i32
    %dma_start3A_43 = arith.constant 0 : i32
    %dma_start3A_44 = tpu.memref_slice %arg3[%dma_start3A_42, %dma_start3A_43] : memref<1000000x64xf32, #tpu.memory_space<hbm>> -> memref<1000000x64xf32, #tpu.memory_space<hbm>>
    %dma_start3A_45 = tpu.memref_slice %arg7[%dma_start3A_34] : memref<4x!tpu.dma_semaphore, #tpu.memory_space<semaphore_mem>> -> memref<1x!tpu.dma_semaphore, #tpu.memory_space<semaphore_mem>>
    %dma_start3A_46 = tpu.memref_squeeze %dma_start3A_45 : memref<1x!tpu.dma_semaphore, #tpu.memory_space<semaphore_mem>> -> memref<!tpu.dma_semaphore, #tpu.memory_space<semaphore_mem>>
    tpu.enqueue_indirect_dma source(%dma_start3A_44 : memref<1000000x64xf32, #tpu.memory_space<hbm>>) target(%dma_start3A_38 : memref<128x64xf32, #tpu.memory_space<vmem>>) offsets(%dma_start3A_41 : memref<128xi32, #tpu.memory_space<vmem>>) semaphore(%dma_start3A_46 : memref<!tpu.dma_semaphore, #tpu.memory_space<semaphore_mem>>)
    %dma_start3A_47 = arith.constant 3 : i32
    %dma_start3A_48 = arith.constant 3 : i32
    %dma_start3A_49 = arith.constant 3 : i32
    %dma_start3A_50 = arith.constant 0 : i32
    %dma_start3A_51 = arith.constant 0 : i32
    %dma_start3A_52 = tpu.memref_slice %arg6[%dma_start3A_48, %dma_start3A_50, %dma_start3A_51] : memref<4x128x64xf32, #tpu.memory_space<vmem>> -> memref<1x128x64xf32, #tpu.memory_space<vmem>>
    %dma_start3A_53 = tpu.memref_squeeze %dma_start3A_52 : memref<1x128x64xf32, #tpu.memory_space<vmem>> -> memref<128x64xf32, #tpu.memory_space<vmem>>
    %dma_start3A_54 = arith.constant 0 : i32
    %dma_start3A_55 = tpu.memref_slice %arg5[%dma_start3A_47, %dma_start3A_54] : memref<104x128xi32, #tpu.memory_space<vmem>> -> memref<1x128xi32, #tpu.memory_space<vmem>>
    %dma_start3A_56 = tpu.memref_squeeze %dma_start3A_55 : memref<1x128xi32, #tpu.memory_space<vmem>> -> memref<128xi32, #tpu.memory_space<vmem>>
    %dma_start3A_57 = arith.constant 0 : i32
    %dma_start3A_58 = arith.constant 0 : i32
    %dma_start3A_59 = tpu.memref_slice %arg3[%dma_start3A_57, %dma_start3A_58] : memref<1000000x64xf32, #tpu.memory_space<hbm>> -> memref<1000000x64xf32, #tpu.memory_space<hbm>>
    %dma_start3A_60 = tpu.memref_slice %arg7[%dma_start3A_49] : memref<4x!tpu.dma_semaphore, #tpu.memory_space<semaphore_mem>> -> memref<1x!tpu.dma_semaphore, #tpu.memory_space<semaphore_mem>>
    %dma_start3A_61 = tpu.memref_squeeze %dma_start3A_60 : memref<1x!tpu.dma_semaphore, #tpu.memory_space<semaphore_mem>> -> memref<!tpu.dma_semaphore, #tpu.memory_space<semaphore_mem>>
    tpu.enqueue_indirect_dma source(%dma_start3A_59 : memref<1000000x64xf32, #tpu.memory_space<hbm>>) target(%dma_start3A_53 : memref<128x64xf32, #tpu.memory_space<vmem>>) offsets(%dma_start3A_56 : memref<128xi32, #tpu.memory_space<vmem>>) semaphore(%dma_start3A_61 : memref<!tpu.dma_semaphore, #tpu.memory_space<semaphore_mem>>)
    %scan3A = arith.constant 0 : i32
    %scan3A_62 = arith.constant 0 : i32
    %scan3A_63 = arith.constant 25 : i32
    %scan3A_64 = arith.addi %scan3A_62, %scan3A_63 : i32
    %scan3A_65 = arith.constant 1 : i32
    scf.for %scan3A_286 = %scan3A_62 to %scan3A_64 step %scan3A_65  : i32 {
      %mul3A_287 = arith.constant 4 : i32
      %mul3A_288 = arith.muli %scan3A_286, %mul3A_287 : i32
      %add3A_289 = arith.constant 0 : i32
      %add3A_290 = arith.addi %mul3A_288, %add3A_289 : i32
      %dma_wait3A_291 = arith.constant 0 : i32
      %dma_wait3A_292 = arith.constant 0 : i32
      %dma_wait3A_293 = arith.constant 0 : i32
      %dma_wait3A_294 = arith.constant 0 : i32
      %dma_wait3A_295 = tpu.memref_slice %arg6[%dma_wait3A_291, %dma_wait3A_293, %dma_wait3A_294] : memref<4x128x64xf32, #tpu.memory_space<vmem>> -> memref<1x128x64xf32, #tpu.memory_space<vmem>>
      %dma_wait3A_296 = tpu.memref_squeeze %dma_wait3A_295 : memref<1x128x64xf32, #tpu.memory_space<vmem>> -> memref<128x64xf32, #tpu.memory_space<vmem>>
      %dma_wait3A_297 = arith.constant 0 : i32
      %dma_wait3A_298 = tpu.memref_slice %arg5[%add3A_290, %dma_wait3A_297] : memref<104x128xi32, #tpu.memory_space<vmem>> -> memref<1x128xi32, #tpu.memory_space<vmem>>
      %dma_wait3A_299 = tpu.memref_squeeze %dma_wait3A_298 : memref<1x128xi32, #tpu.memory_space<vmem>> -> memref<128xi32, #tpu.memory_space<vmem>>
      %dma_wait3A_300 = arith.constant 0 : i32
      %dma_wait3A_301 = arith.constant 0 : i32
      %dma_wait3A_302 = tpu.memref_slice %arg3[%dma_wait3A_300, %dma_wait3A_301] : memref<1000000x64xf32, #tpu.memory_space<hbm>> -> memref<1000000x64xf32, #tpu.memory_space<hbm>>
      %dma_wait3A_303 = tpu.memref_slice %arg7[%dma_wait3A_292] : memref<4x!tpu.dma_semaphore, #tpu.memory_space<semaphore_mem>> -> memref<1x!tpu.dma_semaphore, #tpu.memory_space<semaphore_mem>>
      %dma_wait3A_304 = tpu.memref_squeeze %dma_wait3A_303 : memref<1x!tpu.dma_semaphore, #tpu.memory_space<semaphore_mem>> -> memref<!tpu.dma_semaphore, #tpu.memory_space<semaphore_mem>>
      tpu.wait_indirect_dma semaphore(%dma_wait3A_304 : memref<!tpu.dma_semaphore, #tpu.memory_space<semaphore_mem>>) src(%dma_wait3A_302 : memref<1000000x64xf32, #tpu.memory_space<hbm>>) dst(%dma_wait3A_296 : memref<128x64xf32, #tpu.memory_space<vmem>>)
      %add3A_305 = arith.addi %mul3A_2, %add3A_290 : i32
      %mul3A_306 = arith.constant 128 : i32
      %mul3A_307 = arith.muli %add3A_305, %mul3A_306 : i32
      %dma_start3A_308 = arith.constant 0 : i32
      %dma_start3A_309 = arith.constant 0 : i32
      %dma_start3A_310 = arith.constant 0 : i32
      %dma_start3A_311 = arith.constant 0 : i32
      %dma_start3A_312 = tpu.memref_slice %arg6[%dma_start3A_308, %dma_start3A_310, %dma_start3A_311] : memref<4x128x64xf32, #tpu.memory_space<vmem>> -> memref<1x128x64xf32, #tpu.memory_space<vmem>>
      %dma_start3A_313 = tpu.memref_squeeze %dma_start3A_312 : memref<1x128x64xf32, #tpu.memory_space<vmem>> -> memref<128x64xf32, #tpu.memory_space<vmem>>
      %dma_start3A_314 = arith.constant 0 : i32
      %dma_start3A_315 = tpu.memref_slice %arg4[%mul3A_307, %dma_start3A_314] : memref<425984x64xf32, #tpu.memory_space<hbm>> -> memref<128x64xf32, #tpu.memory_space<hbm>>
      %dma_start3A_316 = tpu.memref_slice %arg8[%dma_start3A_309] : memref<4x!tpu.dma_semaphore, #tpu.memory_space<semaphore_mem>> -> memref<1x!tpu.dma_semaphore, #tpu.memory_space<semaphore_mem>>
      %dma_start3A_317 = tpu.memref_squeeze %dma_start3A_316 : memref<1x!tpu.dma_semaphore, #tpu.memory_space<semaphore_mem>> -> memref<!tpu.dma_semaphore, #tpu.memory_space<semaphore_mem>>
      %dma_start3A_318 = arith.constant 0 : i32
      %dma_start3A_319 = tpu.memref_slice %arg4[%mul3A_307, %dma_start3A_318] : memref<425984x64xf32, #tpu.memory_space<hbm>> -> memref<128x64xf32, #tpu.memory_space<hbm>>
      %dma_start3A_320 = arith.constant 0 : i32
      %dma_start3A_321 = arith.constant 0 : i32
      %dma_start3A_322 = tpu.memref_slice %arg6[%dma_start3A_308, %dma_start3A_320, %dma_start3A_321] : memref<4x128x64xf32, #tpu.memory_space<vmem>> -> memref<1x128x64xf32, #tpu.memory_space<vmem>>
      %dma_start3A_323 = tpu.memref_squeeze %dma_start3A_322 : memref<1x128x64xf32, #tpu.memory_space<vmem>> -> memref<128x64xf32, #tpu.memory_space<vmem>>
      tpu.enqueue_dma source(%dma_start3A_323 : memref<128x64xf32, #tpu.memory_space<vmem>>) target(%dma_start3A_319 : memref<128x64xf32, #tpu.memory_space<hbm>>) target_semaphore(%dma_start3A_317 : memref<!tpu.dma_semaphore, #tpu.memory_space<semaphore_mem>>)
      %add3A_324 = arith.addi %mul3A_2, %add3A_290 : i32
      %mul3A_325 = arith.constant 128 : i32
      %mul3A_326 = arith.muli %add3A_324, %mul3A_325 : i32
      %dma_wait3A_327 = arith.constant 0 : i32
      %dma_wait3A_328 = arith.constant 0 : i32
      %dma_wait3A_329 = arith.constant 0 : i32
      %dma_wait3A_330 = arith.constant 0 : i32
      %dma_wait3A_331 = tpu.memref_slice %arg6[%dma_wait3A_327, %dma_wait3A_329, %dma_wait3A_330] : memref<4x128x64xf32, #tpu.memory_space<vmem>> -> memref<1x128x64xf32, #tpu.memory_space<vmem>>
      %dma_wait3A_332 = tpu.memref_squeeze %dma_wait3A_331 : memref<1x128x64xf32, #tpu.memory_space<vmem>> -> memref<128x64xf32, #tpu.memory_space<vmem>>
      %dma_wait3A_333 = arith.constant 0 : i32
      %dma_wait3A_334 = tpu.memref_slice %arg4[%mul3A_326, %dma_wait3A_333] : memref<425984x64xf32, #tpu.memory_space<hbm>> -> memref<128x64xf32, #tpu.memory_space<hbm>>
      %dma_wait3A_335 = tpu.memref_slice %arg8[%dma_wait3A_328] : memref<4x!tpu.dma_semaphore, #tpu.memory_space<semaphore_mem>> -> memref<1x!tpu.dma_semaphore, #tpu.memory_space<semaphore_mem>>
      %dma_wait3A_336 = tpu.memref_squeeze %dma_wait3A_335 : memref<1x!tpu.dma_semaphore, #tpu.memory_space<semaphore_mem>> -> memref<!tpu.dma_semaphore, #tpu.memory_space<semaphore_mem>>
      %dma_wait3A_337 = arith.constant 0 : i32
      %dma_wait3A_338 = tpu.memref_slice %arg4[%mul3A_326, %dma_wait3A_337] : memref<425984x64xf32, #tpu.memory_space<hbm>> -> memref<128x64xf32, #tpu.memory_space<hbm>>
      %dma_wait3A_339 = arith.constant 0 : i32
      %dma_wait3A_340 = arith.constant 0 : i32
      %dma_wait3A_341 = tpu.memref_slice %arg6[%dma_wait3A_327, %dma_wait3A_339, %dma_wait3A_340] : memref<4x128x64xf32, #tpu.memory_space<vmem>> -> memref<1x128x64xf32, #tpu.memory_space<vmem>>
      %dma_wait3A_342 = tpu.memref_squeeze %dma_wait3A_341 : memref<1x128x64xf32, #tpu.memory_space<vmem>> -> memref<128x64xf32, #tpu.memory_space<vmem>>
      tpu.wait_dma2 semaphore(%dma_wait3A_336 : memref<!tpu.dma_semaphore, #tpu.memory_space<semaphore_mem>>) src(%dma_wait3A_342 : memref<128x64xf32, #tpu.memory_space<vmem>>) dst(%dma_wait3A_338 : memref<128x64xf32, #tpu.memory_space<hbm>>)
      %add3A_343 = arith.constant 4 : i32
      %add3A_344 = arith.addi %add3A_290, %add3A_343 : i32
      %dma_start3A_345 = arith.constant 0 : i32
      %dma_start3A_346 = arith.constant 0 : i32
      %dma_start3A_347 = arith.constant 0 : i32
      %dma_start3A_348 = arith.constant 0 : i32
      %dma_start3A_349 = tpu.memref_slice %arg6[%dma_start3A_345, %dma_start3A_347, %dma_start3A_348] : memref<4x128x64xf32, #tpu.memory_space<vmem>> -> memref<1x128x64xf32, #tpu.memory_space<vmem>>
      %dma_start3A_350 = tpu.memref_squeeze %dma_start3A_349 : memref<1x128x64xf32, #tpu.memory_space<vmem>> -> memref<128x64xf32, #tpu.memory_space<vmem>>
      %dma_start3A_351 = arith.constant 0 : i32
      %dma_start3A_352 = tpu.memref_slice %arg5[%add3A_344, %dma_start3A_351] : memref<104x128xi32, #tpu.memory_space<vmem>> -> memref<1x128xi32, #tpu.memory_space<vmem>>
      %dma_start3A_353 = tpu.memref_squeeze %dma_start3A_352 : memref<1x128xi32, #tpu.memory_space<vmem>> -> memref<128xi32, #tpu.memory_space<vmem>>
      %dma_start3A_354 = arith.constant 0 : i32
      %dma_start3A_355 = arith.constant 0 : i32
      %dma_start3A_356 = tpu.memref_slice %arg3[%dma_start3A_354, %dma_start3A_355] : memref<1000000x64xf32, #tpu.memory_space<hbm>> -> memref<1000000x64xf32, #tpu.memory_space<hbm>>
      %dma_start3A_357 = tpu.memref_slice %arg7[%dma_start3A_346] : memref<4x!tpu.dma_semaphore, #tpu.memory_space<semaphore_mem>> -> memref<1x!tpu.dma_semaphore, #tpu.memory_space<semaphore_mem>>
      %dma_start3A_358 = tpu.memref_squeeze %dma_start3A_357 : memref<1x!tpu.dma_semaphore, #tpu.memory_space<semaphore_mem>> -> memref<!tpu.dma_semaphore, #tpu.memory_space<semaphore_mem>>
      tpu.enqueue_indirect_dma source(%dma_start3A_356 : memref<1000000x64xf32, #tpu.memory_space<hbm>>) target(%dma_start3A_350 : memref<128x64xf32, #tpu.memory_space<vmem>>) offsets(%dma_start3A_353 : memref<128xi32, #tpu.memory_space<vmem>>) semaphore(%dma_start3A_358 : memref<!tpu.dma_semaphore, #tpu.memory_space<semaphore_mem>>)
      %mul3A_359 = arith.constant 4 : i32
      %mul3A_360 = arith.muli %scan3A_286, %mul3A_359 : i32
      %add3A_361 = arith.constant 1 : i32
      %add3A_362 = arith.addi %mul3A_360, %add3A_361 : i32
      %dma_wait3A_363 = arith.constant 1 : i32
      %dma_wait3A_364 = arith.constant 1 : i32
      %dma_wait3A_365 = arith.constant 0 : i32
      %dma_wait3A_366 = arith.constant 0 : i32
      %dma_wait3A_367 = tpu.memref_slice %arg6[%dma_wait3A_363, %dma_wait3A_365, %dma_wait3A_366] : memref<4x128x64xf32, #tpu.memory_space<vmem>> -> memref<1x128x64xf32, #tpu.memory_space<vmem>>
      %dma_wait3A_368 = tpu.memref_squeeze %dma_wait3A_367 : memref<1x128x64xf32, #tpu.memory_space<vmem>> -> memref<128x64xf32, #tpu.memory_space<vmem>>
      %dma_wait3A_369 = arith.constant 0 : i32
      %dma_wait3A_370 = tpu.memref_slice %arg5[%add3A_362, %dma_wait3A_369] : memref<104x128xi32, #tpu.memory_space<vmem>> -> memref<1x128xi32, #tpu.memory_space<vmem>>
      %dma_wait3A_371 = tpu.memref_squeeze %dma_wait3A_370 : memref<1x128xi32, #tpu.memory_space<vmem>> -> memref<128xi32, #tpu.memory_space<vmem>>
      %dma_wait3A_372 = arith.constant 0 : i32
      %dma_wait3A_373 = arith.constant 0 : i32
      %dma_wait3A_374 = tpu.memref_slice %arg3[%dma_wait3A_372, %dma_wait3A_373] : memref<1000000x64xf32, #tpu.memory_space<hbm>> -> memref<1000000x64xf32, #tpu.memory_space<hbm>>
      %dma_wait3A_375 = tpu.memref_slice %arg7[%dma_wait3A_364] : memref<4x!tpu.dma_semaphore, #tpu.memory_space<semaphore_mem>> -> memref<1x!tpu.dma_semaphore, #tpu.memory_space<semaphore_mem>>
      %dma_wait3A_376 = tpu.memref_squeeze %dma_wait3A_375 : memref<1x!tpu.dma_semaphore, #tpu.memory_space<semaphore_mem>> -> memref<!tpu.dma_semaphore, #tpu.memory_space<semaphore_mem>>
      tpu.wait_indirect_dma semaphore(%dma_wait3A_376 : memref<!tpu.dma_semaphore, #tpu.memory_space<semaphore_mem>>) src(%dma_wait3A_374 : memref<1000000x64xf32, #tpu.memory_space<hbm>>) dst(%dma_wait3A_368 : memref<128x64xf32, #tpu.memory_space<vmem>>)
      %add3A_377 = arith.addi %mul3A_2, %add3A_362 : i32
      %mul3A_378 = arith.constant 128 : i32
      %mul3A_379 = arith.muli %add3A_377, %mul3A_378 : i32
      %dma_start3A_380 = arith.constant 1 : i32
      %dma_start3A_381 = arith.constant 1 : i32
      %dma_start3A_382 = arith.constant 0 : i32
      %dma_start3A_383 = arith.constant 0 : i32
      %dma_start3A_384 = tpu.memref_slice %arg6[%dma_start3A_380, %dma_start3A_382, %dma_start3A_383] : memref<4x128x64xf32, #tpu.memory_space<vmem>> -> memref<1x128x64xf32, #tpu.memory_space<vmem>>
      %dma_start3A_385 = tpu.memref_squeeze %dma_start3A_384 : memref<1x128x64xf32, #tpu.memory_space<vmem>> -> memref<128x64xf32, #tpu.memory_space<vmem>>
      %dma_start3A_386 = arith.constant 0 : i32
      %dma_start3A_387 = tpu.memref_slice %arg4[%mul3A_379, %dma_start3A_386] : memref<425984x64xf32, #tpu.memory_space<hbm>> -> memref<128x64xf32, #tpu.memory_space<hbm>>
      %dma_start3A_388 = tpu.memref_slice %arg8[%dma_start3A_381] : memref<4x!tpu.dma_semaphore, #tpu.memory_space<semaphore_mem>> -> memref<1x!tpu.dma_semaphore, #tpu.memory_space<semaphore_mem>>
      %dma_start3A_389 = tpu.memref_squeeze %dma_start3A_388 : memref<1x!tpu.dma_semaphore, #tpu.memory_space<semaphore_mem>> -> memref<!tpu.dma_semaphore, #tpu.memory_space<semaphore_mem>>
      %dma_start3A_390 = arith.constant 0 : i32
      %dma_start3A_391 = tpu.memref_slice %arg4[%mul3A_379, %dma_start3A_390] : memref<425984x64xf32, #tpu.memory_space<hbm>> -> memref<128x64xf32, #tpu.memory_space<hbm>>
      %dma_start3A_392 = arith.constant 0 : i32
      %dma_start3A_393 = arith.constant 0 : i32
      %dma_start3A_394 = tpu.memref_slice %arg6[%dma_start3A_380, %dma_start3A_392, %dma_start3A_393] : memref<4x128x64xf32, #tpu.memory_space<vmem>> -> memref<1x128x64xf32, #tpu.memory_space<vmem>>
      %dma_start3A_395 = tpu.memref_squeeze %dma_start3A_394 : memref<1x128x64xf32, #tpu.memory_space<vmem>> -> memref<128x64xf32, #tpu.memory_space<vmem>>
      tpu.enqueue_dma source(%dma_start3A_395 : memref<128x64xf32, #tpu.memory_space<vmem>>) target(%dma_start3A_391 : memref<128x64xf32, #tpu.memory_space<hbm>>) target_semaphore(%dma_start3A_389 : memref<!tpu.dma_semaphore, #tpu.memory_space<semaphore_mem>>)
      %add3A_396 = arith.addi %mul3A_2, %add3A_362 : i32
      %mul3A_397 = arith.constant 128 : i32
      %mul3A_398 = arith.muli %add3A_396, %mul3A_397 : i32
      %dma_wait3A_399 = arith.constant 1 : i32
      %dma_wait3A_400 = arith.constant 1 : i32
      %dma_wait3A_401 = arith.constant 0 : i32
      %dma_wait3A_402 = arith.constant 0 : i32
      %dma_wait3A_403 = tpu.memref_slice %arg6[%dma_wait3A_399, %dma_wait3A_401, %dma_wait3A_402] : memref<4x128x64xf32, #tpu.memory_space<vmem>> -> memref<1x128x64xf32, #tpu.memory_space<vmem>>
      %dma_wait3A_404 = tpu.memref_squeeze %dma_wait3A_403 : memref<1x128x64xf32, #tpu.memory_space<vmem>> -> memref<128x64xf32, #tpu.memory_space<vmem>>
      %dma_wait3A_405 = arith.constant 0 : i32
      %dma_wait3A_406 = tpu.memref_slice %arg4[%mul3A_398, %dma_wait3A_405] : memref<425984x64xf32, #tpu.memory_space<hbm>> -> memref<128x64xf32, #tpu.memory_space<hbm>>
      %dma_wait3A_407 = tpu.memref_slice %arg8[%dma_wait3A_400] : memref<4x!tpu.dma_semaphore, #tpu.memory_space<semaphore_mem>> -> memref<1x!tpu.dma_semaphore, #tpu.memory_space<semaphore_mem>>
      %dma_wait3A_408 = tpu.memref_squeeze %dma_wait3A_407 : memref<1x!tpu.dma_semaphore, #tpu.memory_space<semaphore_mem>> -> memref<!tpu.dma_semaphore, #tpu.memory_space<semaphore_mem>>
      %dma_wait3A_409 = arith.constant 0 : i32
      %dma_wait3A_410 = tpu.memref_slice %arg4[%mul3A_398, %dma_wait3A_409] : memref<425984x64xf32, #tpu.memory_space<hbm>> -> memref<128x64xf32, #tpu.memory_space<hbm>>
      %dma_wait3A_411 = arith.constant 0 : i32
      %dma_wait3A_412 = arith.constant 0 : i32
      %dma_wait3A_413 = tpu.memref_slice %arg6[%dma_wait3A_399, %dma_wait3A_411, %dma_wait3A_412] : memref<4x128x64xf32, #tpu.memory_space<vmem>> -> memref<1x128x64xf32, #tpu.memory_space<vmem>>
      %dma_wait3A_414 = tpu.memref_squeeze %dma_wait3A_413 : memref<1x128x64xf32, #tpu.memory_space<vmem>> -> memref<128x64xf32, #tpu.memory_space<vmem>>
      tpu.wait_dma2 semaphore(%dma_wait3A_408 : memref<!tpu.dma_semaphore, #tpu.memory_space<semaphore_mem>>) src(%dma_wait3A_414 : memref<128x64xf32, #tpu.memory_space<vmem>>) dst(%dma_wait3A_410 : memref<128x64xf32, #tpu.memory_space<hbm>>)
      %add3A_415 = arith.constant 4 : i32
      %add3A_416 = arith.addi %add3A_362, %add3A_415 : i32
      %dma_start3A_417 = arith.constant 1 : i32
      %dma_start3A_418 = arith.constant 1 : i32
      %dma_start3A_419 = arith.constant 0 : i32
      %dma_start3A_420 = arith.constant 0 : i32
      %dma_start3A_421 = tpu.memref_slice %arg6[%dma_start3A_417, %dma_start3A_419, %dma_start3A_420] : memref<4x128x64xf32, #tpu.memory_space<vmem>> -> memref<1x128x64xf32, #tpu.memory_space<vmem>>
      %dma_start3A_422 = tpu.memref_squeeze %dma_start3A_421 : memref<1x128x64xf32, #tpu.memory_space<vmem>> -> memref<128x64xf32, #tpu.memory_space<vmem>>
      %dma_start3A_423 = arith.constant 0 : i32
      %dma_start3A_424 = tpu.memref_slice %arg5[%add3A_416, %dma_start3A_423] : memref<104x128xi32, #tpu.memory_space<vmem>> -> memref<1x128xi32, #tpu.memory_space<vmem>>
      %dma_start3A_425 = tpu.memref_squeeze %dma_start3A_424 : memref<1x128xi32, #tpu.memory_space<vmem>> -> memref<128xi32, #tpu.memory_space<vmem>>
      %dma_start3A_426 = arith.constant 0 : i32
      %dma_start3A_427 = arith.constant 0 : i32
      %dma_start3A_428 = tpu.memref_slice %arg3[%dma_start3A_426, %dma_start3A_427] : memref<1000000x64xf32, #tpu.memory_space<hbm>> -> memref<1000000x64xf32, #tpu.memory_space<hbm>>
      %dma_start3A_429 = tpu.memref_slice %arg7[%dma_start3A_418] : memref<4x!tpu.dma_semaphore, #tpu.memory_space<semaphore_mem>> -> memref<1x!tpu.dma_semaphore, #tpu.memory_space<semaphore_mem>>
      %dma_start3A_430 = tpu.memref_squeeze %dma_start3A_429 : memref<1x!tpu.dma_semaphore, #tpu.memory_space<semaphore_mem>> -> memref<!tpu.dma_semaphore, #tpu.memory_space<semaphore_mem>>
      tpu.enqueue_indirect_dma source(%dma_start3A_428 : memref<1000000x64xf32, #tpu.memory_space<hbm>>) target(%dma_start3A_422 : memref<128x64xf32, #tpu.memory_space<vmem>>) offsets(%dma_start3A_425 : memref<128xi32, #tpu.memory_space<vmem>>) semaphore(%dma_start3A_430 : memref<!tpu.dma_semaphore, #tpu.memory_space<semaphore_mem>>)
      %mul3A_431 = arith.constant 4 : i32
      %mul3A_432 = arith.muli %scan3A_286, %mul3A_431 : i32
      %add3A_433 = arith.constant 2 : i32
      %add3A_434 = arith.addi %mul3A_432, %add3A_433 : i32
      %dma_wait3A_435 = arith.constant 2 : i32
      %dma_wait3A_436 = arith.constant 2 : i32
      %dma_wait3A_437 = arith.constant 0 : i32
      %dma_wait3A_438 = arith.constant 0 : i32
      %dma_wait3A_439 = tpu.memref_slice %arg6[%dma_wait3A_435, %dma_wait3A_437, %dma_wait3A_438] : memref<4x128x64xf32, #tpu.memory_space<vmem>> -> memref<1x128x64xf32, #tpu.memory_space<vmem>>
      %dma_wait3A_440 = tpu.memref_squeeze %dma_wait3A_439 : memref<1x128x64xf32, #tpu.memory_space<vmem>> -> memref<128x64xf32, #tpu.memory_space<vmem>>
      %dma_wait3A_441 = arith.constant 0 : i32
      %dma_wait3A_442 = tpu.memref_slice %arg5[%add3A_434, %dma_wait3A_441] : memref<104x128xi32, #tpu.memory_space<vmem>> -> memref<1x128xi32, #tpu.memory_space<vmem>>
      %dma_wait3A_443 = tpu.memref_squeeze %dma_wait3A_442 : memref<1x128xi32, #tpu.memory_space<vmem>> -> memref<128xi32, #tpu.memory_space<vmem>>
      %dma_wait3A_444 = arith.constant 0 : i32
      %dma_wait3A_445 = arith.constant 0 : i32
      %dma_wait3A_446 = tpu.memref_slice %arg3[%dma_wait3A_444, %dma_wait3A_445] : memref<1000000x64xf32, #tpu.memory_space<hbm>> -> memref<1000000x64xf32, #tpu.memory_space<hbm>>
      %dma_wait3A_447 = tpu.memref_slice %arg7[%dma_wait3A_436] : memref<4x!tpu.dma_semaphore, #tpu.memory_space<semaphore_mem>> -> memref<1x!tpu.dma_semaphore, #tpu.memory_space<semaphore_mem>>
      %dma_wait3A_448 = tpu.memref_squeeze %dma_wait3A_447 : memref<1x!tpu.dma_semaphore, #tpu.memory_space<semaphore_mem>> -> memref<!tpu.dma_semaphore, #tpu.memory_space<semaphore_mem>>
      tpu.wait_indirect_dma semaphore(%dma_wait3A_448 : memref<!tpu.dma_semaphore, #tpu.memory_space<semaphore_mem>>) src(%dma_wait3A_446 : memref<1000000x64xf32, #tpu.memory_space<hbm>>) dst(%dma_wait3A_440 : memref<128x64xf32, #tpu.memory_space<vmem>>)
      %add3A_449 = arith.addi %mul3A_2, %add3A_434 : i32
      %mul3A_450 = arith.constant 128 : i32
      %mul3A_451 = arith.muli %add3A_449, %mul3A_450 : i32
      %dma_start3A_452 = arith.constant 2 : i32
      %dma_start3A_453 = arith.constant 2 : i32
      %dma_start3A_454 = arith.constant 0 : i32
      %dma_start3A_455 = arith.constant 0 : i32
      %dma_start3A_456 = tpu.memref_slice %arg6[%dma_start3A_452, %dma_start3A_454, %dma_start3A_455] : memref<4x128x64xf32, #tpu.memory_space<vmem>> -> memref<1x128x64xf32, #tpu.memory_space<vmem>>
      %dma_start3A_457 = tpu.memref_squeeze %dma_start3A_456 : memref<1x128x64xf32, #tpu.memory_space<vmem>> -> memref<128x64xf32, #tpu.memory_space<vmem>>
      %dma_start3A_458 = arith.constant 0 : i32
      %dma_start3A_459 = tpu.memref_slice %arg4[%mul3A_451, %dma_start3A_458] : memref<425984x64xf32, #tpu.memory_space<hbm>> -> memref<128x64xf32, #tpu.memory_space<hbm>>
      %dma_start3A_460 = tpu.memref_slice %arg8[%dma_start3A_453] : memref<4x!tpu.dma_semaphore, #tpu.memory_space<semaphore_mem>> -> memref<1x!tpu.dma_semaphore, #tpu.memory_space<semaphore_mem>>
      %dma_start3A_461 = tpu.memref_squeeze %dma_start3A_460 : memref<1x!tpu.dma_semaphore, #tpu.memory_space<semaphore_mem>> -> memref<!tpu.dma_semaphore, #tpu.memory_space<semaphore_mem>>
      %dma_start3A_462 = arith.constant 0 : i32
      %dma_start3A_463 = tpu.memref_slice %arg4[%mul3A_451, %dma_start3A_462] : memref<425984x64xf32, #tpu.memory_space<hbm>> -> memref<128x64xf32, #tpu.memory_space<hbm>>
      %dma_start3A_464 = arith.constant 0 : i32
      %dma_start3A_465 = arith.constant 0 : i32
      %dma_start3A_466 = tpu.memref_slice %arg6[%dma_start3A_452, %dma_start3A_464, %dma_start3A_465] : memref<4x128x64xf32, #tpu.memory_space<vmem>> -> memref<1x128x64xf32, #tpu.memory_space<vmem>>
      %dma_start3A_467 = tpu.memref_squeeze %dma_start3A_466 : memref<1x128x64xf32, #tpu.memory_space<vmem>> -> memref<128x64xf32, #tpu.memory_space<vmem>>
      tpu.enqueue_dma source(%dma_start3A_467 : memref<128x64xf32, #tpu.memory_space<vmem>>) target(%dma_start3A_463 : memref<128x64xf32, #tpu.memory_space<hbm>>) target_semaphore(%dma_start3A_461 : memref<!tpu.dma_semaphore, #tpu.memory_space<semaphore_mem>>)
      %add3A_468 = arith.addi %mul3A_2, %add3A_434 : i32
      %mul3A_469 = arith.constant 128 : i32
      %mul3A_470 = arith.muli %add3A_468, %mul3A_469 : i32
      %dma_wait3A_471 = arith.constant 2 : i32
      %dma_wait3A_472 = arith.constant 2 : i32
      %dma_wait3A_473 = arith.constant 0 : i32
      %dma_wait3A_474 = arith.constant 0 : i32
      %dma_wait3A_475 = tpu.memref_slice %arg6[%dma_wait3A_471, %dma_wait3A_473, %dma_wait3A_474] : memref<4x128x64xf32, #tpu.memory_space<vmem>> -> memref<1x128x64xf32, #tpu.memory_space<vmem>>
      %dma_wait3A_476 = tpu.memref_squeeze %dma_wait3A_475 : memref<1x128x64xf32, #tpu.memory_space<vmem>> -> memref<128x64xf32, #tpu.memory_space<vmem>>
      %dma_wait3A_477 = arith.constant 0 : i32
      %dma_wait3A_478 = tpu.memref_slice %arg4[%mul3A_470, %dma_wait3A_477] : memref<425984x64xf32, #tpu.memory_space<hbm>> -> memref<128x64xf32, #tpu.memory_space<hbm>>
      %dma_wait3A_479 = tpu.memref_slice %arg8[%dma_wait3A_472] : memref<4x!tpu.dma_semaphore, #tpu.memory_space<semaphore_mem>> -> memref<1x!tpu.dma_semaphore, #tpu.memory_space<semaphore_mem>>
      %dma_wait3A_480 = tpu.memref_squeeze %dma_wait3A_479 : memref<1x!tpu.dma_semaphore, #tpu.memory_space<semaphore_mem>> -> memref<!tpu.dma_semaphore, #tpu.memory_space<semaphore_mem>>
      %dma_wait3A_481 = arith.constant 0 : i32
      %dma_wait3A_482 = tpu.memref_slice %arg4[%mul3A_470, %dma_wait3A_481] : memref<425984x64xf32, #tpu.memory_space<hbm>> -> memref<128x64xf32, #tpu.memory_space<hbm>>
      %dma_wait3A_483 = arith.constant 0 : i32
      %dma_wait3A_484 = arith.constant 0 : i32
      %dma_wait3A_485 = tpu.memref_slice %arg6[%dma_wait3A_471, %dma_wait3A_483, %dma_wait3A_484] : memref<4x128x64xf32, #tpu.memory_space<vmem>> -> memref<1x128x64xf32, #tpu.memory_space<vmem>>
      %dma_wait3A_486 = tpu.memref_squeeze %dma_wait3A_485 : memref<1x128x64xf32, #tpu.memory_space<vmem>> -> memref<128x64xf32, #tpu.memory_space<vmem>>
      tpu.wait_dma2 semaphore(%dma_wait3A_480 : memref<!tpu.dma_semaphore, #tpu.memory_space<semaphore_mem>>) src(%dma_wait3A_486 : memref<128x64xf32, #tpu.memory_space<vmem>>) dst(%dma_wait3A_482 : memref<128x64xf32, #tpu.memory_space<hbm>>)
      %add3A_487 = arith.constant 4 : i32
      %add3A_488 = arith.addi %add3A_434, %add3A_487 : i32
      %dma_start3A_489 = arith.constant 2 : i32
      %dma_start3A_490 = arith.constant 2 : i32
      %dma_start3A_491 = arith.constant 0 : i32
      %dma_start3A_492 = arith.constant 0 : i32
      %dma_start3A_493 = tpu.memref_slice %arg6[%dma_start3A_489, %dma_start3A_491, %dma_start3A_492] : memref<4x128x64xf32, #tpu.memory_space<vmem>> -> memref<1x128x64xf32, #tpu.memory_space<vmem>>
      %dma_start3A_494 = tpu.memref_squeeze %dma_start3A_493 : memref<1x128x64xf32, #tpu.memory_space<vmem>> -> memref<128x64xf32, #tpu.memory_space<vmem>>
      %dma_start3A_495 = arith.constant 0 : i32
      %dma_start3A_496 = tpu.memref_slice %arg5[%add3A_488, %dma_start3A_495] : memref<104x128xi32, #tpu.memory_space<vmem>> -> memref<1x128xi32, #tpu.memory_space<vmem>>
      %dma_start3A_497 = tpu.memref_squeeze %dma_start3A_496 : memref<1x128xi32, #tpu.memory_space<vmem>> -> memref<128xi32, #tpu.memory_space<vmem>>
      %dma_start3A_498 = arith.constant 0 : i32
      %dma_start3A_499 = arith.constant 0 : i32
      %dma_start3A_500 = tpu.memref_slice %arg3[%dma_start3A_498, %dma_start3A_499] : memref<1000000x64xf32, #tpu.memory_space<hbm>> -> memref<1000000x64xf32, #tpu.memory_space<hbm>>
      %dma_start3A_501 = tpu.memref_slice %arg7[%dma_start3A_490] : memref<4x!tpu.dma_semaphore, #tpu.memory_space<semaphore_mem>> -> memref<1x!tpu.dma_semaphore, #tpu.memory_space<semaphore_mem>>
      %dma_start3A_502 = tpu.memref_squeeze %dma_start3A_501 : memref<1x!tpu.dma_semaphore, #tpu.memory_space<semaphore_mem>> -> memref<!tpu.dma_semaphore, #tpu.memory_space<semaphore_mem>>
      tpu.enqueue_indirect_dma source(%dma_start3A_500 : memref<1000000x64xf32, #tpu.memory_space<hbm>>) target(%dma_start3A_494 : memref<128x64xf32, #tpu.memory_space<vmem>>) offsets(%dma_start3A_497 : memref<128xi32, #tpu.memory_space<vmem>>) semaphore(%dma_start3A_502 : memref<!tpu.dma_semaphore, #tpu.memory_space<semaphore_mem>>)
      %mul3A_503 = arith.constant 4 : i32
      %mul3A_504 = arith.muli %scan3A_286, %mul3A_503 : i32
      %add3A_505 = arith.constant 3 : i32
      %add3A_506 = arith.addi %mul3A_504, %add3A_505 : i32
      %dma_wait3A_507 = arith.constant 3 : i32
      %dma_wait3A_508 = arith.constant 3 : i32
      %dma_wait3A_509 = arith.constant 0 : i32
      %dma_wait3A_510 = arith.constant 0 : i32
      %dma_wait3A_511 = tpu.memref_slice %arg6[%dma_wait3A_507, %dma_wait3A_509, %dma_wait3A_510] : memref<4x128x64xf32, #tpu.memory_space<vmem>> -> memref<1x128x64xf32, #tpu.memory_space<vmem>>
      %dma_wait3A_512 = tpu.memref_squeeze %dma_wait3A_511 : memref<1x128x64xf32, #tpu.memory_space<vmem>> -> memref<128x64xf32, #tpu.memory_space<vmem>>
      %dma_wait3A_513 = arith.constant 0 : i32
      %dma_wait3A_514 = tpu.memref_slice %arg5[%add3A_506, %dma_wait3A_513] : memref<104x128xi32, #tpu.memory_space<vmem>> -> memref<1x128xi32, #tpu.memory_space<vmem>>
      %dma_wait3A_515 = tpu.memref_squeeze %dma_wait3A_514 : memref<1x128xi32, #tpu.memory_space<vmem>> -> memref<128xi32, #tpu.memory_space<vmem>>
      %dma_wait3A_516 = arith.constant 0 : i32
      %dma_wait3A_517 = arith.constant 0 : i32
      %dma_wait3A_518 = tpu.memref_slice %arg3[%dma_wait3A_516, %dma_wait3A_517] : memref<1000000x64xf32, #tpu.memory_space<hbm>> -> memref<1000000x64xf32, #tpu.memory_space<hbm>>
      %dma_wait3A_519 = tpu.memref_slice %arg7[%dma_wait3A_508] : memref<4x!tpu.dma_semaphore, #tpu.memory_space<semaphore_mem>> -> memref<1x!tpu.dma_semaphore, #tpu.memory_space<semaphore_mem>>
      %dma_wait3A_520 = tpu.memref_squeeze %dma_wait3A_519 : memref<1x!tpu.dma_semaphore, #tpu.memory_space<semaphore_mem>> -> memref<!tpu.dma_semaphore, #tpu.memory_space<semaphore_mem>>
      tpu.wait_indirect_dma semaphore(%dma_wait3A_520 : memref<!tpu.dma_semaphore, #tpu.memory_space<semaphore_mem>>) src(%dma_wait3A_518 : memref<1000000x64xf32, #tpu.memory_space<hbm>>) dst(%dma_wait3A_512 : memref<128x64xf32, #tpu.memory_space<vmem>>)
      %add3A_521 = arith.addi %mul3A_2, %add3A_506 : i32
      %mul3A_522 = arith.constant 128 : i32
      %mul3A_523 = arith.muli %add3A_521, %mul3A_522 : i32
      %dma_start3A_524 = arith.constant 3 : i32
      %dma_start3A_525 = arith.constant 3 : i32
      %dma_start3A_526 = arith.constant 0 : i32
      %dma_start3A_527 = arith.constant 0 : i32
      %dma_start3A_528 = tpu.memref_slice %arg6[%dma_start3A_524, %dma_start3A_526, %dma_start3A_527] : memref<4x128x64xf32, #tpu.memory_space<vmem>> -> memref<1x128x64xf32, #tpu.memory_space<vmem>>
      %dma_start3A_529 = tpu.memref_squeeze %dma_start3A_528 : memref<1x128x64xf32, #tpu.memory_space<vmem>> -> memref<128x64xf32, #tpu.memory_space<vmem>>
      %dma_start3A_530 = arith.constant 0 : i32
      %dma_start3A_531 = tpu.memref_slice %arg4[%mul3A_523, %dma_start3A_530] : memref<425984x64xf32, #tpu.memory_space<hbm>> -> memref<128x64xf32, #tpu.memory_space<hbm>>
      %dma_start3A_532 = tpu.memref_slice %arg8[%dma_start3A_525] : memref<4x!tpu.dma_semaphore, #tpu.memory_space<semaphore_mem>> -> memref<1x!tpu.dma_semaphore, #tpu.memory_space<semaphore_mem>>
      %dma_start3A_533 = tpu.memref_squeeze %dma_start3A_532 : memref<1x!tpu.dma_semaphore, #tpu.memory_space<semaphore_mem>> -> memref<!tpu.dma_semaphore, #tpu.memory_space<semaphore_mem>>
      %dma_start3A_534 = arith.constant 0 : i32
      %dma_start3A_535 = tpu.memref_slice %arg4[%mul3A_523, %dma_start3A_534] : memref<425984x64xf32, #tpu.memory_space<hbm>> -> memref<128x64xf32, #tpu.memory_space<hbm>>
      %dma_start3A_536 = arith.constant 0 : i32
      %dma_start3A_537 = arith.constant 0 : i32
      %dma_start3A_538 = tpu.memref_slice %arg6[%dma_start3A_524, %dma_start3A_536, %dma_start3A_537] : memref<4x128x64xf32, #tpu.memory_space<vmem>> -> memref<1x128x64xf32, #tpu.memory_space<vmem>>
      %dma_start3A_539 = tpu.memref_squeeze %dma_start3A_538 : memref<1x128x64xf32, #tpu.memory_space<vmem>> -> memref<128x64xf32, #tpu.memory_space<vmem>>
      tpu.enqueue_dma source(%dma_start3A_539 : memref<128x64xf32, #tpu.memory_space<vmem>>) target(%dma_start3A_535 : memref<128x64xf32, #tpu.memory_space<hbm>>) target_semaphore(%dma_start3A_533 : memref<!tpu.dma_semaphore, #tpu.memory_space<semaphore_mem>>)
      %add3A_540 = arith.addi %mul3A_2, %add3A_506 : i32
      %mul3A_541 = arith.constant 128 : i32
      %mul3A_542 = arith.muli %add3A_540, %mul3A_541 : i32
      %dma_wait3A_543 = arith.constant 3 : i32
      %dma_wait3A_544 = arith.constant 3 : i32
      %dma_wait3A_545 = arith.constant 0 : i32
      %dma_wait3A_546 = arith.constant 0 : i32
      %dma_wait3A_547 = tpu.memref_slice %arg6[%dma_wait3A_543, %dma_wait3A_545, %dma_wait3A_546] : memref<4x128x64xf32, #tpu.memory_space<vmem>> -> memref<1x128x64xf32, #tpu.memory_space<vmem>>
      %dma_wait3A_548 = tpu.memref_squeeze %dma_wait3A_547 : memref<1x128x64xf32, #tpu.memory_space<vmem>> -> memref<128x64xf32, #tpu.memory_space<vmem>>
      %dma_wait3A_549 = arith.constant 0 : i32
      %dma_wait3A_550 = tpu.memref_slice %arg4[%mul3A_542, %dma_wait3A_549] : memref<425984x64xf32, #tpu.memory_space<hbm>> -> memref<128x64xf32, #tpu.memory_space<hbm>>
      %dma_wait3A_551 = tpu.memref_slice %arg8[%dma_wait3A_544] : memref<4x!tpu.dma_semaphore, #tpu.memory_space<semaphore_mem>> -> memref<1x!tpu.dma_semaphore, #tpu.memory_space<semaphore_mem>>
      %dma_wait3A_552 = tpu.memref_squeeze %dma_wait3A_551 : memref<1x!tpu.dma_semaphore, #tpu.memory_space<semaphore_mem>> -> memref<!tpu.dma_semaphore, #tpu.memory_space<semaphore_mem>>
      %dma_wait3A_553 = arith.constant 0 : i32
      %dma_wait3A_554 = tpu.memref_slice %arg4[%mul3A_542, %dma_wait3A_553] : memref<425984x64xf32, #tpu.memory_space<hbm>> -> memref<128x64xf32, #tpu.memory_space<hbm>>
      %dma_wait3A_555 = arith.constant 0 : i32
      %dma_wait3A_556 = arith.constant 0 : i32
      %dma_wait3A_557 = tpu.memref_slice %arg6[%dma_wait3A_543, %dma_wait3A_555, %dma_wait3A_556] : memref<4x128x64xf32, #tpu.memory_space<vmem>> -> memref<1x128x64xf32, #tpu.memory_space<vmem>>
      %dma_wait3A_558 = tpu.memref_squeeze %dma_wait3A_557 : memref<1x128x64xf32, #tpu.memory_space<vmem>> -> memref<128x64xf32, #tpu.memory_space<vmem>>
      tpu.wait_dma2 semaphore(%dma_wait3A_552 : memref<!tpu.dma_semaphore, #tpu.memory_space<semaphore_mem>>) src(%dma_wait3A_558 : memref<128x64xf32, #tpu.memory_space<vmem>>) dst(%dma_wait3A_554 : memref<128x64xf32, #tpu.memory_space<hbm>>)
      %add3A_559 = arith.constant 4 : i32
      %add3A_560 = arith.addi %add3A_506, %add3A_559 : i32
      %dma_start3A_561 = arith.constant 3 : i32
      %dma_start3A_562 = arith.constant 3 : i32
      %dma_start3A_563 = arith.constant 0 : i32
      %dma_start3A_564 = arith.constant 0 : i32
      %dma_start3A_565 = tpu.memref_slice %arg6[%dma_start3A_561, %dma_start3A_563, %dma_start3A_564] : memref<4x128x64xf32, #tpu.memory_space<vmem>> -> memref<1x128x64xf32, #tpu.memory_space<vmem>>
      %dma_start3A_566 = tpu.memref_squeeze %dma_start3A_565 : memref<1x128x64xf32, #tpu.memory_space<vmem>> -> memref<128x64xf32, #tpu.memory_space<vmem>>
      %dma_start3A_567 = arith.constant 0 : i32
      %dma_start3A_568 = tpu.memref_slice %arg5[%add3A_560, %dma_start3A_567] : memref<104x128xi32, #tpu.memory_space<vmem>> -> memref<1x128xi32, #tpu.memory_space<vmem>>
      %dma_start3A_569 = tpu.memref_squeeze %dma_start3A_568 : memref<1x128xi32, #tpu.memory_space<vmem>> -> memref<128xi32, #tpu.memory_space<vmem>>
      %dma_start3A_570 = arith.constant 0 : i32
      %dma_start3A_571 = arith.constant 0 : i32
      %dma_start3A_572 = tpu.memref_slice %arg3[%dma_start3A_570, %dma_start3A_571] : memref<1000000x64xf32, #tpu.memory_space<hbm>> -> memref<1000000x64xf32, #tpu.memory_space<hbm>>
      %dma_start3A_573 = tpu.memref_slice %arg7[%dma_start3A_562] : memref<4x!tpu.dma_semaphore, #tpu.memory_space<semaphore_mem>> -> memref<1x!tpu.dma_semaphore, #tpu.memory_space<semaphore_mem>>
      %dma_start3A_574 = tpu.memref_squeeze %dma_start3A_573 : memref<1x!tpu.dma_semaphore, #tpu.memory_space<semaphore_mem>> -> memref<!tpu.dma_semaphore, #tpu.memory_space<semaphore_mem>>
      tpu.enqueue_indirect_dma source(%dma_start3A_572 : memref<1000000x64xf32, #tpu.memory_space<hbm>>) target(%dma_start3A_566 : memref<128x64xf32, #tpu.memory_space<vmem>>) offsets(%dma_start3A_569 : memref<128xi32, #tpu.memory_space<vmem>>) semaphore(%dma_start3A_574 : memref<!tpu.dma_semaphore, #tpu.memory_space<semaphore_mem>>)
    }
    %scan3A_66 = arith.constant 25 : i32
    %dma_wait3A = arith.constant 100 : i32
    %dma_wait3A_67 = arith.constant 0 : i32
    %dma_wait3A_68 = arith.constant 0 : i32
    %dma_wait3A_69 = arith.constant 0 : i32
    %dma_wait3A_70 = arith.constant 0 : i32
    %dma_wait3A_71 = tpu.memref_slice %arg6[%dma_wait3A_67, %dma_wait3A_69, %dma_wait3A_70] : memref<4x128x64xf32, #tpu.memory_space<vmem>> -> memref<1x128x64xf32, #tpu.memory_space<vmem>>
    %dma_wait3A_72 = tpu.memref_squeeze %dma_wait3A_71 : memref<1x128x64xf32, #tpu.memory_space<vmem>> -> memref<128x64xf32, #tpu.memory_space<vmem>>
    %dma_wait3A_73 = arith.constant 0 : i32
    %dma_wait3A_74 = tpu.memref_slice %arg5[%dma_wait3A, %dma_wait3A_73] : memref<104x128xi32, #tpu.memory_space<vmem>> -> memref<1x128xi32, #tpu.memory_space<vmem>>
    %dma_wait3A_75 = tpu.memref_squeeze %dma_wait3A_74 : memref<1x128xi32, #tpu.memory_space<vmem>> -> memref<128xi32, #tpu.memory_space<vmem>>
    %dma_wait3A_76 = arith.constant 0 : i32
    %dma_wait3A_77 = arith.constant 0 : i32
    %dma_wait3A_78 = tpu.memref_slice %arg3[%dma_wait3A_76, %dma_wait3A_77] : memref<1000000x64xf32, #tpu.memory_space<hbm>> -> memref<1000000x64xf32, #tpu.memory_space<hbm>>
    %dma_wait3A_79 = tpu.memref_slice %arg7[%dma_wait3A_68] : memref<4x!tpu.dma_semaphore, #tpu.memory_space<semaphore_mem>> -> memref<1x!tpu.dma_semaphore, #tpu.memory_space<semaphore_mem>>
    %dma_wait3A_80 = tpu.memref_squeeze %dma_wait3A_79 : memref<1x!tpu.dma_semaphore, #tpu.memory_space<semaphore_mem>> -> memref<!tpu.dma_semaphore, #tpu.memory_space<semaphore_mem>>
    tpu.wait_indirect_dma semaphore(%dma_wait3A_80 : memref<!tpu.dma_semaphore, #tpu.memory_space<semaphore_mem>>) src(%dma_wait3A_78 : memref<1000000x64xf32, #tpu.memory_space<hbm>>) dst(%dma_wait3A_72 : memref<128x64xf32, #tpu.memory_space<vmem>>)
    %add3A_81 = arith.constant 100 : i32
    %add3A_82 = arith.addi %mul3A_2, %add3A_81 : i32
    %mul3A_83 = arith.constant 128 : i32
    %mul3A_84 = arith.muli %add3A_82, %mul3A_83 : i32
    %dma_start3A_85 = arith.constant 0 : i32
    %dma_start3A_86 = arith.constant 0 : i32
    %dma_start3A_87 = arith.constant 0 : i32
    %dma_start3A_88 = arith.constant 0 : i32
    %dma_start3A_89 = tpu.memref_slice %arg6[%dma_start3A_85, %dma_start3A_87, %dma_start3A_88] : memref<4x128x64xf32, #tpu.memory_space<vmem>> -> memref<1x128x64xf32, #tpu.memory_space<vmem>>
    %dma_start3A_90 = tpu.memref_squeeze %dma_start3A_89 : memref<1x128x64xf32, #tpu.memory_space<vmem>> -> memref<128x64xf32, #tpu.memory_space<vmem>>
    %dma_start3A_91 = arith.constant 0 : i32
    %dma_start3A_92 = tpu.memref_slice %arg4[%mul3A_84, %dma_start3A_91] : memref<425984x64xf32, #tpu.memory_space<hbm>> -> memref<128x64xf32, #tpu.memory_space<hbm>>
    %dma_start3A_93 = tpu.memref_slice %arg8[%dma_start3A_86] : memref<4x!tpu.dma_semaphore, #tpu.memory_space<semaphore_mem>> -> memref<1x!tpu.dma_semaphore, #tpu.memory_space<semaphore_mem>>
    %dma_start3A_94 = tpu.memref_squeeze %dma_start3A_93 : memref<1x!tpu.dma_semaphore, #tpu.memory_space<semaphore_mem>> -> memref<!tpu.dma_semaphore, #tpu.memory_space<semaphore_mem>>
    %dma_start3A_95 = arith.constant 0 : i32
    %dma_start3A_96 = tpu.memref_slice %arg4[%mul3A_84, %dma_start3A_95] : memref<425984x64xf32, #tpu.memory_space<hbm>> -> memref<128x64xf32, #tpu.memory_space<hbm>>
    %dma_start3A_97 = arith.constant 0 : i32
    %dma_start3A_98 = arith.constant 0 : i32
    %dma_start3A_99 = tpu.memref_slice %arg6[%dma_start3A_85, %dma_start3A_97, %dma_start3A_98] : memref<4x128x64xf32, #tpu.memory_space<vmem>> -> memref<1x128x64xf32, #tpu.memory_space<vmem>>
    %dma_start3A_100 = tpu.memref_squeeze %dma_start3A_99 : memref<1x128x64xf32, #tpu.memory_space<vmem>> -> memref<128x64xf32, #tpu.memory_space<vmem>>
    tpu.enqueue_dma source(%dma_start3A_100 : memref<128x64xf32, #tpu.memory_space<vmem>>) target(%dma_start3A_96 : memref<128x64xf32, #tpu.memory_space<hbm>>) target_semaphore(%dma_start3A_94 : memref<!tpu.dma_semaphore, #tpu.memory_space<semaphore_mem>>)
    %add3A_101 = arith.constant 100 : i32
    %add3A_102 = arith.addi %mul3A_2, %add3A_101 : i32
    %mul3A_103 = arith.constant 128 : i32
    %mul3A_104 = arith.muli %add3A_102, %mul3A_103 : i32
    %dma_wait3A_105 = arith.constant 0 : i32
    %dma_wait3A_106 = arith.constant 0 : i32
    %dma_wait3A_107 = arith.constant 0 : i32
    %dma_wait3A_108 = arith.constant 0 : i32
    %dma_wait3A_109 = tpu.memref_slice %arg6[%dma_wait3A_105, %dma_wait3A_107, %dma_wait3A_108] : memref<4x128x64xf32, #tpu.memory_space<vmem>> -> memref<1x128x64xf32, #tpu.memory_space<vmem>>
    %dma_wait3A_110 = tpu.memref_squeeze %dma_wait3A_109 : memref<1x128x64xf32, #tpu.memory_space<vmem>> -> memref<128x64xf32, #tpu.memory_space<vmem>>
    %dma_wait3A_111 = arith.constant 0 : i32
    %dma_wait3A_112 = tpu.memref_slice %arg4[%mul3A_104, %dma_wait3A_111] : memref<425984x64xf32, #tpu.memory_space<hbm>> -> memref<128x64xf32, #tpu.memory_space<hbm>>
    %dma_wait3A_113 = tpu.memref_slice %arg8[%dma_wait3A_106] : memref<4x!tpu.dma_semaphore, #tpu.memory_space<semaphore_mem>> -> memref<1x!tpu.dma_semaphore, #tpu.memory_space<semaphore_mem>>
    %dma_wait3A_114 = tpu.memref_squeeze %dma_wait3A_113 : memref<1x!tpu.dma_semaphore, #tpu.memory_space<semaphore_mem>> -> memref<!tpu.dma_semaphore, #tpu.memory_space<semaphore_mem>>
    %dma_wait3A_115 = arith.constant 0 : i32
    %dma_wait3A_116 = tpu.memref_slice %arg4[%mul3A_104, %dma_wait3A_115] : memref<425984x64xf32, #tpu.memory_space<hbm>> -> memref<128x64xf32, #tpu.memory_space<hbm>>
    %dma_wait3A_117 = arith.constant 0 : i32
    %dma_wait3A_118 = arith.constant 0 : i32
    %dma_wait3A_119 = tpu.memref_slice %arg6[%dma_wait3A_105, %dma_wait3A_117, %dma_wait3A_118] : memref<4x128x64xf32, #tpu.memory_space<vmem>> -> memref<1x128x64xf32, #tpu.memory_space<vmem>>
    %dma_wait3A_120 = tpu.memref_squeeze %dma_wait3A_119 : memref<1x128x64xf32, #tpu.memory_space<vmem>> -> memref<128x64xf32, #tpu.memory_space<vmem>>
    tpu.wait_dma2 semaphore(%dma_wait3A_114 : memref<!tpu.dma_semaphore, #tpu.memory_space<semaphore_mem>>) src(%dma_wait3A_120 : memref<128x64xf32, #tpu.memory_space<vmem>>) dst(%dma_wait3A_116 : memref<128x64xf32, #tpu.memory_space<hbm>>)
    %dma_wait3A_121 = arith.constant 101 : i32
    %dma_wait3A_122 = arith.constant 1 : i32
    %dma_wait3A_123 = arith.constant 1 : i32
    %dma_wait3A_124 = arith.constant 0 : i32
    %dma_wait3A_125 = arith.constant 0 : i32
    %dma_wait3A_126 = tpu.memref_slice %arg6[%dma_wait3A_122, %dma_wait3A_124, %dma_wait3A_125] : memref<4x128x64xf32, #tpu.memory_space<vmem>> -> memref<1x128x64xf32, #tpu.memory_space<vmem>>
    %dma_wait3A_127 = tpu.memref_squeeze %dma_wait3A_126 : memref<1x128x64xf32, #tpu.memory_space<vmem>> -> memref<128x64xf32, #tpu.memory_space<vmem>>
    %dma_wait3A_128 = arith.constant 0 : i32
    %dma_wait3A_129 = tpu.memref_slice %arg5[%dma_wait3A_121, %dma_wait3A_128] : memref<104x128xi32, #tpu.memory_space<vmem>> -> memref<1x128xi32, #tpu.memory_space<vmem>>
    %dma_wait3A_130 = tpu.memref_squeeze %dma_wait3A_129 : memref<1x128xi32, #tpu.memory_space<vmem>> -> memref<128xi32, #tpu.memory_space<vmem>>
    %dma_wait3A_131 = arith.constant 0 : i32
    %dma_wait3A_132 = arith.constant 0 : i32
    %dma_wait3A_133 = tpu.memref_slice %arg3[%dma_wait3A_131, %dma_wait3A_132] : memref<1000000x64xf32, #tpu.memory_space<hbm>> -> memref<1000000x64xf32, #tpu.memory_space<hbm>>
    %dma_wait3A_134 = tpu.memref_slice %arg7[%dma_wait3A_123] : memref<4x!tpu.dma_semaphore, #tpu.memory_space<semaphore_mem>> -> memref<1x!tpu.dma_semaphore, #tpu.memory_space<semaphore_mem>>
    %dma_wait3A_135 = tpu.memref_squeeze %dma_wait3A_134 : memref<1x!tpu.dma_semaphore, #tpu.memory_space<semaphore_mem>> -> memref<!tpu.dma_semaphore, #tpu.memory_space<semaphore_mem>>
    tpu.wait_indirect_dma semaphore(%dma_wait3A_135 : memref<!tpu.dma_semaphore, #tpu.memory_space<semaphore_mem>>) src(%dma_wait3A_133 : memref<1000000x64xf32, #tpu.memory_space<hbm>>) dst(%dma_wait3A_127 : memref<128x64xf32, #tpu.memory_space<vmem>>)
    %add3A_136 = arith.constant 101 : i32
    %add3A_137 = arith.addi %mul3A_2, %add3A_136 : i32
    %mul3A_138 = arith.constant 128 : i32
    %mul3A_139 = arith.muli %add3A_137, %mul3A_138 : i32
    %dma_start3A_140 = arith.constant 1 : i32
    %dma_start3A_141 = arith.constant 1 : i32
    %dma_start3A_142 = arith.constant 0 : i32
    %dma_start3A_143 = arith.constant 0 : i32
    %dma_start3A_144 = tpu.memref_slice %arg6[%dma_start3A_140, %dma_start3A_142, %dma_start3A_143] : memref<4x128x64xf32, #tpu.memory_space<vmem>> -> memref<1x128x64xf32, #tpu.memory_space<vmem>>
    %dma_start3A_145 = tpu.memref_squeeze %dma_start3A_144 : memref<1x128x64xf32, #tpu.memory_space<vmem>> -> memref<128x64xf32, #tpu.memory_space<vmem>>
    %dma_start3A_146 = arith.constant 0 : i32
    %dma_start3A_147 = tpu.memref_slice %arg4[%mul3A_139, %dma_start3A_146] : memref<425984x64xf32, #tpu.memory_space<hbm>> -> memref<128x64xf32, #tpu.memory_space<hbm>>
    %dma_start3A_148 = tpu.memref_slice %arg8[%dma_start3A_141] : memref<4x!tpu.dma_semaphore, #tpu.memory_space<semaphore_mem>> -> memref<1x!tpu.dma_semaphore, #tpu.memory_space<semaphore_mem>>
    %dma_start3A_149 = tpu.memref_squeeze %dma_start3A_148 : memref<1x!tpu.dma_semaphore, #tpu.memory_space<semaphore_mem>> -> memref<!tpu.dma_semaphore, #tpu.memory_space<semaphore_mem>>
    %dma_start3A_150 = arith.constant 0 : i32
    %dma_start3A_151 = tpu.memref_slice %arg4[%mul3A_139, %dma_start3A_150] : memref<425984x64xf32, #tpu.memory_space<hbm>> -> memref<128x64xf32, #tpu.memory_space<hbm>>
    %dma_start3A_152 = arith.constant 0 : i32
    %dma_start3A_153 = arith.constant 0 : i32
    %dma_start3A_154 = tpu.memref_slice %arg6[%dma_start3A_140, %dma_start3A_152, %dma_start3A_153] : memref<4x128x64xf32, #tpu.memory_space<vmem>> -> memref<1x128x64xf32, #tpu.memory_space<vmem>>
    %dma_start3A_155 = tpu.memref_squeeze %dma_start3A_154 : memref<1x128x64xf32, #tpu.memory_space<vmem>> -> memref<128x64xf32, #tpu.memory_space<vmem>>
    tpu.enqueue_dma source(%dma_start3A_155 : memref<128x64xf32, #tpu.memory_space<vmem>>) target(%dma_start3A_151 : memref<128x64xf32, #tpu.memory_space<hbm>>) target_semaphore(%dma_start3A_149 : memref<!tpu.dma_semaphore, #tpu.memory_space<semaphore_mem>>)
    %add3A_156 = arith.constant 101 : i32
    %add3A_157 = arith.addi %mul3A_2, %add3A_156 : i32
    %mul3A_158 = arith.constant 128 : i32
    %mul3A_159 = arith.muli %add3A_157, %mul3A_158 : i32
    %dma_wait3A_160 = arith.constant 1 : i32
    %dma_wait3A_161 = arith.constant 1 : i32
    %dma_wait3A_162 = arith.constant 0 : i32
    %dma_wait3A_163 = arith.constant 0 : i32
    %dma_wait3A_164 = tpu.memref_slice %arg6[%dma_wait3A_160, %dma_wait3A_162, %dma_wait3A_163] : memref<4x128x64xf32, #tpu.memory_space<vmem>> -> memref<1x128x64xf32, #tpu.memory_space<vmem>>
    %dma_wait3A_165 = tpu.memref_squeeze %dma_wait3A_164 : memref<1x128x64xf32, #tpu.memory_space<vmem>> -> memref<128x64xf32, #tpu.memory_space<vmem>>
    %dma_wait3A_166 = arith.constant 0 : i32
    %dma_wait3A_167 = tpu.memref_slice %arg4[%mul3A_159, %dma_wait3A_166] : memref<425984x64xf32, #tpu.memory_space<hbm>> -> memref<128x64xf32, #tpu.memory_space<hbm>>
    %dma_wait3A_168 = tpu.memref_slice %arg8[%dma_wait3A_161] : memref<4x!tpu.dma_semaphore, #tpu.memory_space<semaphore_mem>> -> memref<1x!tpu.dma_semaphore, #tpu.memory_space<semaphore_mem>>
    %dma_wait3A_169 = tpu.memref_squeeze %dma_wait3A_168 : memref<1x!tpu.dma_semaphore, #tpu.memory_space<semaphore_mem>> -> memref<!tpu.dma_semaphore, #tpu.memory_space<semaphore_mem>>
    %dma_wait3A_170 = arith.constant 0 : i32
    %dma_wait3A_171 = tpu.memref_slice %arg4[%mul3A_159, %dma_wait3A_170] : memref<425984x64xf32, #tpu.memory_space<hbm>> -> memref<128x64xf32, #tpu.memory_space<hbm>>
    %dma_wait3A_172 = arith.constant 0 : i32
    %dma_wait3A_173 = arith.constant 0 : i32
    %dma_wait3A_174 = tpu.memref_slice %arg6[%dma_wait3A_160, %dma_wait3A_172, %dma_wait3A_173] : memref<4x128x64xf32, #tpu.memory_space<vmem>> -> memref<1x128x64xf32, #tpu.memory_space<vmem>>
    %dma_wait3A_175 = tpu.memref_squeeze %dma_wait3A_174 : memref<1x128x64xf32, #tpu.memory_space<vmem>> -> memref<128x64xf32, #tpu.memory_space<vmem>>
    tpu.wait_dma2 semaphore(%dma_wait3A_169 : memref<!tpu.dma_semaphore, #tpu.memory_space<semaphore_mem>>) src(%dma_wait3A_175 : memref<128x64xf32, #tpu.memory_space<vmem>>) dst(%dma_wait3A_171 : memref<128x64xf32, #tpu.memory_space<hbm>>)
    %dma_wait3A_176 = arith.constant 102 : i32
    %dma_wait3A_177 = arith.constant 2 : i32
    %dma_wait3A_178 = arith.constant 2 : i32
    %dma_wait3A_179 = arith.constant 0 : i32
    %dma_wait3A_180 = arith.constant 0 : i32
    %dma_wait3A_181 = tpu.memref_slice %arg6[%dma_wait3A_177, %dma_wait3A_179, %dma_wait3A_180] : memref<4x128x64xf32, #tpu.memory_space<vmem>> -> memref<1x128x64xf32, #tpu.memory_space<vmem>>
    %dma_wait3A_182 = tpu.memref_squeeze %dma_wait3A_181 : memref<1x128x64xf32, #tpu.memory_space<vmem>> -> memref<128x64xf32, #tpu.memory_space<vmem>>
    %dma_wait3A_183 = arith.constant 0 : i32
    %dma_wait3A_184 = tpu.memref_slice %arg5[%dma_wait3A_176, %dma_wait3A_183] : memref<104x128xi32, #tpu.memory_space<vmem>> -> memref<1x128xi32, #tpu.memory_space<vmem>>
    %dma_wait3A_185 = tpu.memref_squeeze %dma_wait3A_184 : memref<1x128xi32, #tpu.memory_space<vmem>> -> memref<128xi32, #tpu.memory_space<vmem>>
    %dma_wait3A_186 = arith.constant 0 : i32
    %dma_wait3A_187 = arith.constant 0 : i32
    %dma_wait3A_188 = tpu.memref_slice %arg3[%dma_wait3A_186, %dma_wait3A_187] : memref<1000000x64xf32, #tpu.memory_space<hbm>> -> memref<1000000x64xf32, #tpu.memory_space<hbm>>
    %dma_wait3A_189 = tpu.memref_slice %arg7[%dma_wait3A_178] : memref<4x!tpu.dma_semaphore, #tpu.memory_space<semaphore_mem>> -> memref<1x!tpu.dma_semaphore, #tpu.memory_space<semaphore_mem>>
    %dma_wait3A_190 = tpu.memref_squeeze %dma_wait3A_189 : memref<1x!tpu.dma_semaphore, #tpu.memory_space<semaphore_mem>> -> memref<!tpu.dma_semaphore, #tpu.memory_space<semaphore_mem>>
    tpu.wait_indirect_dma semaphore(%dma_wait3A_190 : memref<!tpu.dma_semaphore, #tpu.memory_space<semaphore_mem>>) src(%dma_wait3A_188 : memref<1000000x64xf32, #tpu.memory_space<hbm>>) dst(%dma_wait3A_182 : memref<128x64xf32, #tpu.memory_space<vmem>>)
    %add3A_191 = arith.constant 102 : i32
    %add3A_192 = arith.addi %mul3A_2, %add3A_191 : i32
    %mul3A_193 = arith.constant 128 : i32
    %mul3A_194 = arith.muli %add3A_192, %mul3A_193 : i32
    %dma_start3A_195 = arith.constant 2 : i32
    %dma_start3A_196 = arith.constant 2 : i32
    %dma_start3A_197 = arith.constant 0 : i32
    %dma_start3A_198 = arith.constant 0 : i32
    %dma_start3A_199 = tpu.memref_slice %arg6[%dma_start3A_195, %dma_start3A_197, %dma_start3A_198] : memref<4x128x64xf32, #tpu.memory_space<vmem>> -> memref<1x128x64xf32, #tpu.memory_space<vmem>>
    %dma_start3A_200 = tpu.memref_squeeze %dma_start3A_199 : memref<1x128x64xf32, #tpu.memory_space<vmem>> -> memref<128x64xf32, #tpu.memory_space<vmem>>
    %dma_start3A_201 = arith.constant 0 : i32
    %dma_start3A_202 = tpu.memref_slice %arg4[%mul3A_194, %dma_start3A_201] : memref<425984x64xf32, #tpu.memory_space<hbm>> -> memref<128x64xf32, #tpu.memory_space<hbm>>
    %dma_start3A_203 = tpu.memref_slice %arg8[%dma_start3A_196] : memref<4x!tpu.dma_semaphore, #tpu.memory_space<semaphore_mem>> -> memref<1x!tpu.dma_semaphore, #tpu.memory_space<semaphore_mem>>
    %dma_start3A_204 = tpu.memref_squeeze %dma_start3A_203 : memref<1x!tpu.dma_semaphore, #tpu.memory_space<semaphore_mem>> -> memref<!tpu.dma_semaphore, #tpu.memory_space<semaphore_mem>>
    %dma_start3A_205 = arith.constant 0 : i32
    %dma_start3A_206 = tpu.memref_slice %arg4[%mul3A_194, %dma_start3A_205] : memref<425984x64xf32, #tpu.memory_space<hbm>> -> memref<128x64xf32, #tpu.memory_space<hbm>>
    %dma_start3A_207 = arith.constant 0 : i32
    %dma_start3A_208 = arith.constant 0 : i32
    %dma_start3A_209 = tpu.memref_slice %arg6[%dma_start3A_195, %dma_start3A_207, %dma_start3A_208] : memref<4x128x64xf32, #tpu.memory_space<vmem>> -> memref<1x128x64xf32, #tpu.memory_space<vmem>>
    %dma_start3A_210 = tpu.memref_squeeze %dma_start3A_209 : memref<1x128x64xf32, #tpu.memory_space<vmem>> -> memref<128x64xf32, #tpu.memory_space<vmem>>
    tpu.enqueue_dma source(%dma_start3A_210 : memref<128x64xf32, #tpu.memory_space<vmem>>) target(%dma_start3A_206 : memref<128x64xf32, #tpu.memory_space<hbm>>) target_semaphore(%dma_start3A_204 : memref<!tpu.dma_semaphore, #tpu.memory_space<semaphore_mem>>)
    %add3A_211 = arith.constant 102 : i32
    %add3A_212 = arith.addi %mul3A_2, %add3A_211 : i32
    %mul3A_213 = arith.constant 128 : i32
    %mul3A_214 = arith.muli %add3A_212, %mul3A_213 : i32
    %dma_wait3A_215 = arith.constant 2 : i32
    %dma_wait3A_216 = arith.constant 2 : i32
    %dma_wait3A_217 = arith.constant 0 : i32
    %dma_wait3A_218 = arith.constant 0 : i32
    %dma_wait3A_219 = tpu.memref_slice %arg6[%dma_wait3A_215, %dma_wait3A_217, %dma_wait3A_218] : memref<4x128x64xf32, #tpu.memory_space<vmem>> -> memref<1x128x64xf32, #tpu.memory_space<vmem>>
    %dma_wait3A_220 = tpu.memref_squeeze %dma_wait3A_219 : memref<1x128x64xf32, #tpu.memory_space<vmem>> -> memref<128x64xf32, #tpu.memory_space<vmem>>
    %dma_wait3A_221 = arith.constant 0 : i32
    %dma_wait3A_222 = tpu.memref_slice %arg4[%mul3A_214, %dma_wait3A_221] : memref<425984x64xf32, #tpu.memory_space<hbm>> -> memref<128x64xf32, #tpu.memory_space<hbm>>
    %dma_wait3A_223 = tpu.memref_slice %arg8[%dma_wait3A_216] : memref<4x!tpu.dma_semaphore, #tpu.memory_space<semaphore_mem>> -> memref<1x!tpu.dma_semaphore, #tpu.memory_space<semaphore_mem>>
    %dma_wait3A_224 = tpu.memref_squeeze %dma_wait3A_223 : memref<1x!tpu.dma_semaphore, #tpu.memory_space<semaphore_mem>> -> memref<!tpu.dma_semaphore, #tpu.memory_space<semaphore_mem>>
    %dma_wait3A_225 = arith.constant 0 : i32
    %dma_wait3A_226 = tpu.memref_slice %arg4[%mul3A_214, %dma_wait3A_225] : memref<425984x64xf32, #tpu.memory_space<hbm>> -> memref<128x64xf32, #tpu.memory_space<hbm>>
    %dma_wait3A_227 = arith.constant 0 : i32
    %dma_wait3A_228 = arith.constant 0 : i32
    %dma_wait3A_229 = tpu.memref_slice %arg6[%dma_wait3A_215, %dma_wait3A_227, %dma_wait3A_228] : memref<4x128x64xf32, #tpu.memory_space<vmem>> -> memref<1x128x64xf32, #tpu.memory_space<vmem>>
    %dma_wait3A_230 = tpu.memref_squeeze %dma_wait3A_229 : memref<1x128x64xf32, #tpu.memory_space<vmem>> -> memref<128x64xf32, #tpu.memory_space<vmem>>
    tpu.wait_dma2 semaphore(%dma_wait3A_224 : memref<!tpu.dma_semaphore, #tpu.memory_space<semaphore_mem>>) src(%dma_wait3A_230 : memref<128x64xf32, #tpu.memory_space<vmem>>) dst(%dma_wait3A_226 : memref<128x64xf32, #tpu.memory_space<hbm>>)
    %dma_wait3A_231 = arith.constant 103 : i32
    %dma_wait3A_232 = arith.constant 3 : i32
    %dma_wait3A_233 = arith.constant 3 : i32
    %dma_wait3A_234 = arith.constant 0 : i32
    %dma_wait3A_235 = arith.constant 0 : i32
    %dma_wait3A_236 = tpu.memref_slice %arg6[%dma_wait3A_232, %dma_wait3A_234, %dma_wait3A_235] : memref<4x128x64xf32, #tpu.memory_space<vmem>> -> memref<1x128x64xf32, #tpu.memory_space<vmem>>
    %dma_wait3A_237 = tpu.memref_squeeze %dma_wait3A_236 : memref<1x128x64xf32, #tpu.memory_space<vmem>> -> memref<128x64xf32, #tpu.memory_space<vmem>>
    %dma_wait3A_238 = arith.constant 0 : i32
    %dma_wait3A_239 = tpu.memref_slice %arg5[%dma_wait3A_231, %dma_wait3A_238] : memref<104x128xi32, #tpu.memory_space<vmem>> -> memref<1x128xi32, #tpu.memory_space<vmem>>
    %dma_wait3A_240 = tpu.memref_squeeze %dma_wait3A_239 : memref<1x128xi32, #tpu.memory_space<vmem>> -> memref<128xi32, #tpu.memory_space<vmem>>
    %dma_wait3A_241 = arith.constant 0 : i32
    %dma_wait3A_242 = arith.constant 0 : i32
    %dma_wait3A_243 = tpu.memref_slice %arg3[%dma_wait3A_241, %dma_wait3A_242] : memref<1000000x64xf32, #tpu.memory_space<hbm>> -> memref<1000000x64xf32, #tpu.memory_space<hbm>>
    %dma_wait3A_244 = tpu.memref_slice %arg7[%dma_wait3A_233] : memref<4x!tpu.dma_semaphore, #tpu.memory_space<semaphore_mem>> -> memref<1x!tpu.dma_semaphore, #tpu.memory_space<semaphore_mem>>
    %dma_wait3A_245 = tpu.memref_squeeze %dma_wait3A_244 : memref<1x!tpu.dma_semaphore, #tpu.memory_space<semaphore_mem>> -> memref<!tpu.dma_semaphore, #tpu.memory_space<semaphore_mem>>
    tpu.wait_indirect_dma semaphore(%dma_wait3A_245 : memref<!tpu.dma_semaphore, #tpu.memory_space<semaphore_mem>>) src(%dma_wait3A_243 : memref<1000000x64xf32, #tpu.memory_space<hbm>>) dst(%dma_wait3A_237 : memref<128x64xf32, #tpu.memory_space<vmem>>)
    %add3A_246 = arith.constant 103 : i32
    %add3A_247 = arith.addi %mul3A_2, %add3A_246 : i32
    %mul3A_248 = arith.constant 128 : i32
    %mul3A_249 = arith.muli %add3A_247, %mul3A_248 : i32
    %dma_start3A_250 = arith.constant 3 : i32
    %dma_start3A_251 = arith.constant 3 : i32
    %dma_start3A_252 = arith.constant 0 : i32
    %dma_start3A_253 = arith.constant 0 : i32
    %dma_start3A_254 = tpu.memref_slice %arg6[%dma_start3A_250, %dma_start3A_252, %dma_start3A_253] : memref<4x128x64xf32, #tpu.memory_space<vmem>> -> memref<1x128x64xf32, #tpu.memory_space<vmem>>
    %dma_start3A_255 = tpu.memref_squeeze %dma_start3A_254 : memref<1x128x64xf32, #tpu.memory_space<vmem>> -> memref<128x64xf32, #tpu.memory_space<vmem>>
    %dma_start3A_256 = arith.constant 0 : i32
    %dma_start3A_257 = tpu.memref_slice %arg4[%mul3A_249, %dma_start3A_256] : memref<425984x64xf32, #tpu.memory_space<hbm>> -> memref<128x64xf32, #tpu.memory_space<hbm>>
    %dma_start3A_258 = tpu.memref_slice %arg8[%dma_start3A_251] : memref<4x!tpu.dma_semaphore, #tpu.memory_space<semaphore_mem>> -> memref<1x!tpu.dma_semaphore, #tpu.memory_space<semaphore_mem>>
    %dma_start3A_259 = tpu.memref_squeeze %dma_start3A_258 : memref<1x!tpu.dma_semaphore, #tpu.memory_space<semaphore_mem>> -> memref<!tpu.dma_semaphore, #tpu.memory_space<semaphore_mem>>
    %dma_start3A_260 = arith.constant 0 : i32
    %dma_start3A_261 = tpu.memref_slice %arg4[%mul3A_249, %dma_start3A_260] : memref<425984x64xf32, #tpu.memory_space<hbm>> -> memref<128x64xf32, #tpu.memory_space<hbm>>
    %dma_start3A_262 = arith.constant 0 : i32
    %dma_start3A_263 = arith.constant 0 : i32
    %dma_start3A_264 = tpu.memref_slice %arg6[%dma_start3A_250, %dma_start3A_262, %dma_start3A_263] : memref<4x128x64xf32, #tpu.memory_space<vmem>> -> memref<1x128x64xf32, #tpu.memory_space<vmem>>
    %dma_start3A_265 = tpu.memref_squeeze %dma_start3A_264 : memref<1x128x64xf32, #tpu.memory_space<vmem>> -> memref<128x64xf32, #tpu.memory_space<vmem>>
    tpu.enqueue_dma source(%dma_start3A_265 : memref<128x64xf32, #tpu.memory_space<vmem>>) target(%dma_start3A_261 : memref<128x64xf32, #tpu.memory_space<hbm>>) target_semaphore(%dma_start3A_259 : memref<!tpu.dma_semaphore, #tpu.memory_space<semaphore_mem>>)
    %add3A_266 = arith.constant 103 : i32
    %add3A_267 = arith.addi %mul3A_2, %add3A_266 : i32
    %mul3A_268 = arith.constant 128 : i32
    %mul3A_269 = arith.muli %add3A_267, %mul3A_268 : i32
    %dma_wait3A_270 = arith.constant 3 : i32
    %dma_wait3A_271 = arith.constant 3 : i32
    %dma_wait3A_272 = arith.constant 0 : i32
    %dma_wait3A_273 = arith.constant 0 : i32
    %dma_wait3A_274 = tpu.memref_slice %arg6[%dma_wait3A_270, %dma_wait3A_272, %dma_wait3A_273] : memref<4x128x64xf32, #tpu.memory_space<vmem>> -> memref<1x128x64xf32, #tpu.memory_space<vmem>>
    %dma_wait3A_275 = tpu.memref_squeeze %dma_wait3A_274 : memref<1x128x64xf32, #tpu.memory_space<vmem>> -> memref<128x64xf32, #tpu.memory_space<vmem>>
    %dma_wait3A_276 = arith.constant 0 : i32
    %dma_wait3A_277 = tpu.memref_slice %arg4[%mul3A_269, %dma_wait3A_276] : memref<425984x64xf32, #tpu.memory_space<hbm>> -> memref<128x64xf32, #tpu.memory_space<hbm>>
    %dma_wait3A_278 = tpu.memref_slice %arg8[%dma_wait3A_271] : memref<4x!tpu.dma_semaphore, #tpu.memory_space<semaphore_mem>> -> memref<1x!tpu.dma_semaphore, #tpu.memory_space<semaphore_mem>>
    %dma_wait3A_279 = tpu.memref_squeeze %dma_wait3A_278 : memref<1x!tpu.dma_semaphore, #tpu.memory_space<semaphore_mem>> -> memref<!tpu.dma_semaphore, #tpu.memory_space<semaphore_mem>>
    %dma_wait3A_280 = arith.constant 0 : i32
    %dma_wait3A_281 = tpu.memref_slice %arg4[%mul3A_269, %dma_wait3A_280] : memref<425984x64xf32, #tpu.memory_space<hbm>> -> memref<128x64xf32, #tpu.memory_space<hbm>>
    %dma_wait3A_282 = arith.constant 0 : i32
    %dma_wait3A_283 = arith.constant 0 : i32
    %dma_wait3A_284 = tpu.memref_slice %arg6[%dma_wait3A_270, %dma_wait3A_282, %dma_wait3A_283] : memref<4x128x64xf32, #tpu.memory_space<vmem>> -> memref<1x128x64xf32, #tpu.memory_space<vmem>>
    %dma_wait3A_285 = tpu.memref_squeeze %dma_wait3A_284 : memref<1x128x64xf32, #tpu.memory_space<vmem>> -> memref<128x64xf32, #tpu.memory_space<vmem>>
    tpu.wait_dma2 semaphore(%dma_wait3A_279 : memref<!tpu.dma_semaphore, #tpu.memory_space<semaphore_mem>>) src(%dma_wait3A_285 : memref<128x64xf32, #tpu.memory_space<vmem>>) dst(%dma_wait3A_281 : memref<128x64xf32, #tpu.memory_space<hbm>>)
    return
  }
}

</mosaic_0001>

<sc_bundles>
// kernel: kernel.3.cloned.1.call-start
scs
__scs_entry_jumppad:
0x0: {  	(pc) =	sbr.rel $0x88, $3  }
0x1: {  	(tag) =	ssettag $0x0;
	lr =	simm.s32 $0x1  }
0x2: {  	[smem:$0x3F9F] =	sst lr;
	_ =	strace $0xD0000000  }
0x3: {  	_ = 	snop  }
0x4: {  	_ = 	snop  }
0x5: {  	_ = 	snop  }
0x6: {  	_ = 	snop  }
0x7: {  	_ = 	snop  }
__scs_overlays_trampoline_lowered:
0x8: {  	[smem:$0x3FAE] =	sst s0  }
0x9: {  	[smem:$0x3FAF] =	sst s1  }
0xa: {  	[smem:$0x3FB0] =	sst s2  }
0xb: {  	[smem:$0x3FB1] =	sst s3  }
0xc: {  	[smem:$0x3FB2] =	sst s4  }
0xd: {  	[smem:$0x3FB3] =	sst s5  }
0xe: {  	[smem:$0x3FB4] =	sst s6  }
0xf: {  	[smem:$0x3FB5] =	sst s7  }
0x10: {  	[smem:$0x3FB6] =	sst s8  }
0x11: {  	[smem:$0x3FB7] =	sst s9;
	s0 =	simm.s32 @!p0 $0x0  }
0x12: {  	s1 =	sld [smem:$0x3F9D];
	s0 =	simm.s32 @p0 $0x1  }
0x13: {  	[smem:$0x3FB8] =	sst s0;
	s0 =	simm.s32 @!p1 $0x0  }
0x14: {  	s2 =	sld [smem:$0x3F9C];
	s0 =	simm.s32 @p1 $0x1  }
0x15: {  	[smem:$0x3FB9] =	sst s0;
	s0 =	simm.s32 @!p2 $0x0  }
0x16: {  	s3 =	sld [smem:$0x3FDB];
	s0 =	simm.s32 @p2 $0x1  }
0x17: {  	s4 =	simm.s32 $0x1BF5;
	[smem:$0x3FBB] =	sst s0  }
0x18: {  	s0 =	sld [smem:$0x3F9E];
	_ =	swait.ge [sflag:s4], $0x0  }
0x19: {  	s7 =	sld [smem:$0x3F9F]  }
0x1a: {  	s8 =	sadd.s32 $0xFFFFE003, lr  }
0x1b: {  	s9 =	sadd.s32 $0xFFFFFEF7, lr;
	s5 =	simm.s32 $0xFFFFFFFF;
	p2 =	slt.u32 s8, $0xFFFFF086  }
0x1c: {  	p1 =	slt.u32 s9, $0xF7A;
	s5 =	simm.s32 @!p2 $0x0  }
0x1d: {  	s5 =	simm.s32 @p1 $0x1;
	p0 =	seq.s32 s7, s2  }
0x1e: {  	s7 =	smul.u32 @!p0 $0xF7A, s2;
	p2 =	seq.s32 @!p0 s5, $0x0  }
0x1f: {  	s9 =	smul.u32 $0xF7A, s1;
	s8 =	simm.s32 @!p0 $0x1BF5;
	p2 =	por !p2, p0  }
0x20: {  	[sflag:s8] =	ssyncset.s32 @!p0 $0xFFFFF086;
	s6 =	sadd.s32 @!p0 s3, s7;
	s7 =	simm.s32 @!p0 $0x108  }
0x21: {  	s3 =	sadd.s32 s3, s9;
	s6 =	sadd.s32 @!p0 $0x88, s6;
	s7 =	simm.s32 @p2 $0x1082  }
0x22: {  	[simem:s7], [sflag:s8] =	dma.local @!p0 [hbm:s6], $0xF7A  }
0x23: {  	s9 =	sor.u32 $0xD0000000, s2;
	s6 =	simm.s32 $0x108;
	_ =	swait.ge @!p0 [sflag:s8], $0x0  }
0x24: {  	s3 =	sadd.s32 $0x88, s3;
	s6 =	simm.s32 @!p1 $0x1082;
	[sflag:s4] =	ssyncset.s32 $0xFFFFF086  }
0x25: {  	[simem:s6], [sflag:s4] =	dma.local [hbm:s3], $0xF7A  }
0x26: {  	[smem:$0x3F9F] =	sst s1;
	(tag) =	ssettag s2;
	_ =	strace s9  }
0x27: {  	s1 =	sld [smem:$0x3FAF]  }
0x28: {  	s2 =	sld [smem:$0x3FB0]  }
0x29: {  	s4 =	sld [smem:$0x3FB2]  }
0x2a: {  	p0 =	seq.s32 s5, $0x0;
	s5 =	sld [smem:$0x3FB3]  }
0x2b: {  	s6 =	sld [smem:$0x3FB4]  }
0x2c: {  	s7 =	sld [smem:$0x3FB5]  }
0x2d: {  	s3 =	simm.s32 $0x108;
	s8 =	sld [smem:$0x3FB6]  }
0x2e: {  	s3 =	simm.s32 @!p0 $0x1082;
	s9 =	sld [smem:$0x3FB7]  }
0x2f: {  	lr =	sadd.s32 s0, s3;
	s0 =	sld [smem:$0x3FAE]  }
0x30: {  	s3 =	sld [smem:$0x3FB1]  }
0x31: {  	[smem:$0x3FBA] =	sst s10  }
0x32: {  	s10 =	sld [smem:$0x3FB8];
	_ =	sdelay $0x3  }
0x33: {  	p0 =	seq.s32 s10, $0x1;
	s10 =	sld [smem:$0x3FBA];
	_ =	sdelay $0x3  }
0x34: {  	[smem:$0x3FBA] =	sst s10  }
0x35: {  	s10 =	sld [smem:$0x3FB9];
	_ =	sdelay $0x3  }
0x36: {  	p1 =	seq.s32 s10, $0x1;
	s10 =	sld [smem:$0x3FBA];
	_ =	sdelay $0x3  }
0x37: {  	[smem:$0x3FBA] =	sst s10  }
0x38: {  	s10 =	sld [smem:$0x3FBB]  }
0x39: {  	_ = 	snop;
	(pc) =	sbr.ind lr, $3  }
0x3a: {  	_ = 	snop  }
0x3b: {  	_ = 	snop  }
0x3c: {  	p2 =	seq.s32 s10, $0x1;
	s10 =	sld [smem:$0x3FBA]  }
0x3d: {  	_ =	shalt  }
0x3e: {  	_ =	shalt  }
0x3f: {  	_ =	shalt  }
0x40: {  	_ =	shalt  }
0x41: {  	_ =	shalt  }
0x42: {  	_ =	shalt  }
0x43: {  	_ =	shalt  }
0x44: {  	_ =	shalt  }
0x45: {  	_ =	shalt  }
0x46: {  	_ =	shalt  }
0x47: {  	_ =	shalt  }
0x48: {  	_ =	shalt  }
0x49: {  	_ =	shalt  }
0x4a: {  	_ =	shalt  }
0x4b: {  	_ =	shalt  }
0x4c: {  	_ =	shalt  }
0x4d: {  	_ =	shalt  }
0x4e: {  	_ =	shalt  }
0x4f: {  	_ =	shalt  }
0x50: {  	_ =	shalt  }
0x51: {  	_ =	shalt  }
0x52: {  	_ =	shalt  }
0x53: {  	_ =	shalt  }
0x54: {  	_ =	shalt  }
0x55: {  	_ =	shalt  }
0x56: {  	_ =	shalt  }
0x57: {  	_ =	shalt  }
0x58: {  	_ =	shalt  }
0x59: {  	_ =	shalt  }
0x5a: {  	_ =	shalt  }
0x5b: {  	_ =	shalt  }
0x5c: {  	_ =	shalt  }
0x5d: {  	_ =	shalt  }
0x5e: {  	_ =	shalt  }
0x5f: {  	_ =	shalt  }
0x60: {  	_ =	shalt  }
0x61: {  	_ =	shalt  }
0x62: {  	_ =	shalt  }
0x63: {  	_ =	shalt  }
0x64: {  	_ =	shalt  }
0x65: {  	_ =	shalt  }
0x66: {  	_ =	shalt  }
0x67: {  	_ =	shalt  }
0x68: {  	_ =	shalt  }
0x69: {  	_ =	shalt  }
0x6a: {  	_ =	shalt  }
0x6b: {  	_ =	shalt  }
0x6c: {  	_ =	shalt  }
0x6d: {  	_ =	shalt  }
0x6e: {  	_ =	shalt  }
0x6f: {  	_ =	shalt  }
0x70: {  	_ =	shalt  }
0x71: {  	_ =	shalt  }
0x72: {  	_ =	shalt  }
0x73: {  	_ =	shalt  }
0x74: {  	_ =	shalt  }
0x75: {  	_ =	shalt  }
0x76: {  	_ =	shalt  }
0x77: {  	_ =	shalt  }
0x78: {  	_ =	shalt  }
0x79: {  	_ =	shalt  }
0x7a: {  	_ =	shalt  }
0x7b: {  	_ =	shalt  }
0x7c: {  	_ =	shalt  }
0x7d: {  	_ =	shalt  }
0x7e: {  	_ =	shalt  }
0x7f: {  	_ =	shalt  }
0x80: {  	_ =	shalt  }
0x81: {  	_ =	shalt  }
0x82: {  	_ =	shalt  }
0x83: {  	_ =	shalt  }
0x84: {  	_ =	shalt  }
0x85: {  	_ =	shalt  }
0x86: {  	_ =	shalt  }
0x87: {  	_ =	shalt  }
.Lfunc_end0:
.L_simem_size_0:
called_computation.1_lowered:
.L_overlay_start_0:
0x88: {  	s2 =	sld [smem:$0x3FD9]  }
0x89: {  	s3 =	sld [smem:$0x3FFE];
	_ =	sdelay $0x1  }
0x8a: {  	s1 =	srdreg.scid  }
0x8b: {  	s0 =	sand.u32 $0x1, s1  }
0x8c: {  	s17 =	sshll.u32 s0, $0xA;
	s2 =	sadd.s32 s3, s2  }
0x8d: {  	s2 =	sadd.s32 s2, s17  }
0x8e: {  	[smem:$0x3FC6] =	sst s2  }
0x8f: {  	_ = 	snop  }
0x90: {  	s2 =	sld [smem:$0x3FD0];
	(tm) =	ssettm $0x1  }
0x91: {  	s18 =	sld [smem:$0x3FFB];
	_ =	sdelay $0x3  }
0x92: {  	_ =	strace s18  }
0x93: {  	s3 =	sld [smem:$0x3FFC];
	_ =	sdelay $0x3  }
0x94: {  	_ =	strace s3  }
0x95: {  	s3 =	sld [smem:$0x3FFD];
	_ =	sdelay $0x3  }
0x96: {  	_ =	strace s3  }
0x97: {  	_ =	strace $0x8FFFFFFF  }
0x98: {  	s19 =	sld [smem:$0x3FDB];
	_ =	sdelay $0x1  }
0x99: {  	s4 =	simm.s32 $_scs_section_size  }
0x9a: {  	s5 =	simm.s32 $_size__tile_overlayer_lowered;
	s6 =	simm.s32 $_tile_overlayer_lowered  }
0x9b: {  	s22 =	simm.s32 $0x1BFF;
	s21 =	sshll.u32 s6, $0x1;
	s3 =	sadd.s32 s4, s19  }
0x9c: {  	s7 =	simm.s32 $0x0;
	s20 =	sshll.u32 s5, $0x1;
	s5 =	sadd.s32 s21, s3  }
0x9d: {  	[timem:s7], [sflag:s22] =	dma.local [hbm:s5], s20  }
0x9e: {  	_ =	swait.ge [sflag:s22], s20  }
0x9f: {  	s4 =	ssub.s32 $0x0, s20;
	[sflag:s22] =	ssyncset.done $0x0  }
0xa0: {  	[sflag:s22] =	ssyncadd.s32 s4;
	_ =	sdelay $0x1  }
0xa1: {  	s23 =	simm.s32 $0x1B8B  }
0xa2: {  	_ =	swait.ge [sflag:s23], $0x1  }
0xa3: {  	[sflag:s23] =	ssyncset.done $0x0  }
0xa4: {  	s25 =	simm.s32 $0x1B8E;
	s24 =	sld [smem:$0x3FFE];
	[sflag:s23] =	ssyncadd.s32 $0xFFFFFFFF  }
0xa5: {  	s26 =	simm.s32 $execute0_lowered;
	[smem:$0x3FD2] =	sst s25  }
0xa6: {  	s5 =	sshll.u32 s26, $0x1;
	_ =	strace $0x80000046;
	[dreg:$0x1] =	wrdreg $0xFFFFFFFF  }
0xa7: {  	s28 =	simm.s32 $_size_execute0_lowered;
	s3 =	sadd.s32 s3, s5;
	[dreg:$0x0] =	wrdreg $0x0  }
0xa8: {  	s5 =	sshll.u32 s28, $0x1;
	[dreg:$0x2] =	wrdreg s3  }
0xa9: {  	[dreg:$0x3] =	wrdreg s5  }
0xaa: {  	[dreg:$0x4] =	wrdreg $0xC0  }
0xab: {  	_ =	task [dreg:s7], $0x5FFFF  }
0xac: {  	[dreg:$0x1] =	wrdreg $0xFFFFFFFF  }
0xad: {  	[dreg:$0x0] =	wrdreg $0x60  }
0xae: {  	[dreg:$0x2] =	wrdreg s24  }
0xaf: {  	[dreg:$0x3] =	wrdreg s2  }
0xb0: {  	[dreg:$0x4] =	wrdreg $0x9  }
0xb1: {  	_ =	task.clear_ibuf [dreg:s7], $0x5FFFF;
	_ =	strace $0x90000046  }
0xb2: {  	s29 =	simm.s32 $0x9;
	_ =	strace $0x80000048  }
0xb3: {  	_ =	swait.ge [sflag:s29], $0x1  }
0xb4: {  	[sflag:s29] =	ssyncadd.s32 $0xFFFFFFFF  }
0xb5: {  	_ =	strace $0x90000048  }
0xb6: {  	_ =	sfence  }
0xb7: {  	s30 =	sld [smem:$0x0];
	_ =	sdelay $0x2  }
0xb8: {  	s31 =	sshll.u32 s1, $0xD;
	s1 =	sshrl.u32 s1, $0x2  }
0xb9: {  	s3 =	sand.u32 $0x4000, s31;
	s1 =	sadd.s32 s1, s30  }
0xba: {  	s0 =	sor.u32 s3, s0;
	s1 =	sshll.u32 s1, $0x11  }
0xbb: {  	s0 =	sor.u32 s1, s0  }
0xbc: {  	s0 =	sadd.s32 $0x8F2B, s0  }
0xbd: {  	[sflag:s0] =	ssyncadd.remote.s32 $0x1  }
0xbe: {  	_ =	sfence.sel $0xFFFF  }
0xbf: {  	[dreg:$0x0] =	wrdreg $0xFFFFFFFF;
	(pc) =	sbr.abs _section_cstart, $3  }
0xc0: {  	[dreg:$0x1] =	wrdreg $0xFFFFFFFF  }
0xc1: {  	_ =	task.clear_ibuf [dreg:s7], $0x2FFFF;
	_ =	strace $0x9FFFFFFF  }
0xc2: {  	(tm) =	ssettm $0x7FFFFFFF  }
0xc3: {  	_ =	shalt  }
tec
execute0_lowered:
.L_overlay_start_1:
0x0: {  	(tag) =	ssettag $0x1  }
0x1: {  	s0 =	srdreg.scid;
	s1 =	rddreg [dreg:$0x0]  }
0x2: {  	s11 =	stileid.u32;
	s12 =	rddreg [dreg:$0x1]  }
0x3: {  	s14 =	simm.s32 $0x80;
	s15 =	simm.s32 $0x3400;
	s16 =	simm.s32 $0x5400  }
0x4: {  	s18 =	simm.s32 $0x7400;
	s20 =	simm.s32 $0x9400;
	s21 =	simm.s32 $0x1  }
0x5: {  	s22 =	simm.s32 $0x5;
	s23 =	simm.s32 $0x2;
	s8 =	smul.u32 $0xD0, s11  }
0x6: {  	s24 =	simm.s32 $0x6;
	s0 =	sand.u32 $0x1, s0;
	s13 =	smul.u32 $0x34000, s11  }
0x7: {  	s28 =	simm.s32 $0x4;
	s2 =	sshll.u32 s11, $0x1;
	s10 =	smul.u32 $0x68, s0  }
0x8: {  	s3 =	sor.u32 s0, s2;
	s25 =	ssub.s32 $0x2, s0;
	s0 =	smul.u32 $0x1A000, s0  }
0x9: {  	s29 =	simm.s32 $0x8;
	s2 =	simm.s32 $0x0;
	s4 =	smul.u32 $0x680, s3  }
0xa: {  	s30 =	simm.s32 $0x0;
	[smem:$0x7FF] =	sst s2;
	s5 =	smul.u32 $0xD0000, s3  }
0xb: {  	s3 =	sadd.s32 $0xF42E00, s1;
	s6 =	sshrl.u32 s25, $0x1;
	s31 =	sadd.s32 s13, s12  }
0xc: {  	s13 =	simm.s32 $0x9;
	_ =	strace $0x80000047;
	s10 =	sadd.s32 s10, s8  }
0xd: {  	s4 =	sadd.s32 s4, s1;
	s5 =	sshrl.u32 s5, $0x3;
	s1 =	ssub.s32 s25, s6  }
0xe: {  	s10 =	sshll.u32 s10, $0xA;
	s25 =	simm.s32 $0x3;
	s9 =	sadd.s32 s12, s5  }
0xf: {  	s4 =	sadd.s32 $0xA00, s4;
	s26 =	sadd.s32 s10, s12;
	s12 =	sadd.s32 s0, s31  }
0x10: {  	[dreg:$0x3] =	wrdreg s4;
	s5 =	sadd.s32 $0x19000, s9;
	s6 =	sadd.s32 $0x19400, s9  }
0x11: {  	s7 =	sadd.s32 $0x19800, s9;
	s8 =	sadd.s32 $0x19C00, s9;
	s9 =	smax.u32 s1, $0x1  }
0x12: {  	s10 =	sadd.s32 $0xC00, s26;
	s11 =	sadd.s32 $0x800, s26;
	s26 =	simm.s32 $0x7  }
.LBB2_1:
0x13: {  	s0 =	rddreg [dreg:$0x3]  }
0x14: {  	[tilespmem:s2], [sflag:$0x9] =	stream.linear.gather [hbm4b:s0+s2], $0x3400, $0x38;
	[tilespmem:$0xB400] =	vst v63  }
0x15: {  	_ =	swait.ge [sflag:s13], $0x3400  }
0x16: {  	[sflag:s13] =	ssyncset.done $0x0  }
0x17: {  	[sflag:s13] =	ssyncadd.s32 $0xFFFFCC00  }
0x18: {  	[tilespmem:s15], [sflag:$0x1] =	stream.indirect.gather [hbm4b:s3+s14], $0x40, s2, s14, $0xb8;
	[tilespmem:$0xB400] =	vst v63  }
0x19: {  	_ = 	snop  }
0x1a: {  	[tilespmem:s16], [sflag:$0x2] =	stream.indirect.gather [hbm4b:s3+s14], $0x40, s14, s14, $0xb8;
	[tilespmem:$0xB400] =	vst v63  }
0x1b: {  	s17 =	simm.s32 $0x100  }
0x1c: {  	[tilespmem:s18], [sflag:$0x3] =	stream.indirect.gather [hbm4b:s3+s14], $0x40, s17, s14, $0xb8;
	[tilespmem:$0xB400] =	vst v63  }
0x1d: {  	s19 =	simm.s32 $0x180  }
0x1e: {  	[tilespmem:s20], [sflag:$0x4] =	stream.indirect.gather [hbm4b:s3+s14], $0x40, s19, s14, $0xb8;
	[tilespmem:$0xB400] =	vst v63  }
0x1f: {  	_ =	swait.ge [sflag:s21], $0x2000  }
0x20: {  	[sflag:s21] =	ssyncset.done $0x0  }
0x21: {  	[sflag:s21] =	ssyncadd.s32 $0xFFFFE000  }
0x22: {  	[hbm4b:s12+s2] =	stream.linear.scatter [tilespmem:s15], [sflag:$0x5], $0x2000, $0x38;
	[tilespmem:$0xB400] =	vst v63  }
0x23: {  	_ =	swait.ge [sflag:s22], $0x2000  }
0x24: {  	[sflag:s22] =	ssyncset.done $0x0  }
0x25: {  	s1 =	simm.s32 $0x200;
	[sflag:s22] =	ssyncadd.s32 $0xFFFFE000  }
0x26: {  	[tilespmem:s15], [sflag:$0x1] =	stream.indirect.gather [hbm4b:s3+s14], $0x40, s1, s14, $0xb8;
	[tilespmem:$0xB400] =	vst v63  }
0x27: {  	_ =	swait.ge [sflag:s23], $0x2000  }
0x28: {  	[sflag:s23] =	ssyncset.done $0x0  }
0x29: {  	s4 =	sadd.s32 $0xFFFFF800, s10;
	[sflag:s23] =	ssyncadd.s32 $0xFFFFE000  }
0x2a: {  	[hbm4b:s4+s2] =	stream.linear.scatter [tilespmem:s16], [sflag:$0x6], $0x2000, $0x38;
	[tilespmem:$0xB400] =	vst v63  }
0x2b: {  	_ =	swait.ge [sflag:s24], $0x2000  }
0x2c: {  	[sflag:s24] =	ssyncset.done $0x0  }
0x2d: {  	s17 =	simm.s32 $0x280;
	[sflag:s24] =	ssyncadd.s32 $0xFFFFE000  }
0x2e: {  	[tilespmem:s16], [sflag:$0x2] =	stream.indirect.gather [hbm4b:s3+s14], $0x40, s17, s14, $0xb8;
	[tilespmem:$0xB400] =	vst v63  }
0x2f: {  	_ =	swait.ge [sflag:s25], $0x2000  }
0x30: {  	[sflag:s25] =	ssyncset.done $0x0  }
0x31: {  	[sflag:s25] =	ssyncadd.s32 $0xFFFFE000  }
0x32: {  	[hbm4b:s11+s2] =	stream.linear.scatter [tilespmem:s18], [sflag:$0x7], $0x2000, $0x38;
	[tilespmem:$0xB400] =	vst v63  }
0x33: {  	_ =	swait.ge [sflag:s26], $0x2000  }
0x34: {  	[sflag:s26] =	ssyncset.done $0x0  }
0x35: {  	s19 =	simm.s32 $0x300;
	[sflag:s26] =	ssyncadd.s32 $0xFFFFE000  }
0x36: {  	[tilespmem:s18], [sflag:$0x3] =	stream.indirect.gather [hbm4b:s3+s14], $0x40, s19, s14, $0xb8;
	[tilespmem:$0xB400] =	vst v63  }
0x37: {  	_ =	swait.ge [sflag:s28], $0x2000  }
0x38: {  	[sflag:s28] =	ssyncset.done $0x0  }
0x39: {  	[sflag:s28] =	ssyncadd.s32 $0xFFFFE000  }
0x3a: {  	[hbm4b:s10+s2] =	stream.linear.scatter [tilespmem:s20], [sflag:$0x8], $0x2000, $0x38;
	[tilespmem:$0xB400] =	vst v63  }
0x3b: {  	s31 =	simm.s32 $0x800;
	_ =	swait.ge [sflag:s29], $0x2000  }
0x3c: {  	s0 =	sadd.s32 $0x1000, s12;
	s1 =	sadd.s32 $0x1000, s11;
	[sflag:s29] =	ssyncset.done $0x0  }
0x3d: {  	s17 =	sadd.s32 $0x1000, s10;
	s19 =	simm.s32 $0x380;
	[sflag:s29] =	ssyncadd.s32 $0xFFFFE000  }
.LBB2_2:
0x3e: {  	[tilespmem:s20], [sflag:$0x4] =	stream.indirect.gather [hbm4b:s3+s14], $0x40, s19, s14, $0xb8;
	[tilespmem:$0xB400] =	vst v63  }
0x3f: {  	s19 =	smov.u32 s31  }
0x40: {  	p0 =	sne.s32 s31, $0xC000;
	s31 =	sadd.s32 $0x800, s31;
	_ =	swait.ge [sflag:s21], $0x2000  }
0x41: {  	[sflag:s21] =	ssyncset.done $0x0  }
0x42: {  	[sflag:s21] =	ssyncadd.s32 $0xFFFFE000  }
0x43: {  	[hbm4b:s0+s2] =	stream.linear.scatter [tilespmem:s15], [sflag:$0x5], $0x2000, $0x38;
	[tilespmem:$0xB400] =	vst v63  }
0x44: {  	_ =	swait.ge [sflag:s22], $0x2000  }
0x45: {  	s19 =	sshra.s32 s19, $0x2;
	[sflag:s22] =	ssyncset.done $0x0  }
0x46: {  	s4 =	sadd.s32 $0x200, s19;
	[sflag:s22] =	ssyncadd.s32 $0xFFFFE000  }
0x47: {  	[tilespmem:s15], [sflag:$0x1] =	stream.indirect.gather [hbm4b:s3+s14], $0x40, s4, s14, $0xb8;
	[tilespmem:$0xB400] =	vst v63  }
0x48: {  	_ =	swait.ge [sflag:s23], $0x2000  }
0x49: {  	[sflag:s23] =	ssyncset.done $0x0  }
0x4a: {  	s4 =	sadd.s32 $0xFFFFF800, s17;
	[sflag:s23] =	ssyncadd.s32 $0xFFFFE000  }
0x4b: {  	[hbm4b:s4+s2] =	stream.linear.scatter [tilespmem:s16], [sflag:$0x6], $0x2000, $0x38;
	[tilespmem:$0xB400] =	vst v63  }
0x4c: {  	_ =	swait.ge [sflag:s24], $0x2000  }
0x4d: {  	[sflag:s24] =	ssyncset.done $0x0  }
0x4e: {  	s4 =	sadd.s32 $0x280, s19;
	[sflag:s24] =	ssyncadd.s32 $0xFFFFE000  }
0x4f: {  	[tilespmem:s16], [sflag:$0x2] =	stream.indirect.gather [hbm4b:s3+s14], $0x40, s4, s14, $0xb8;
	[tilespmem:$0xB400] =	vst v63  }
0x50: {  	_ =	swait.ge [sflag:s25], $0x2000  }
0x51: {  	[sflag:s25] =	ssyncset.done $0x0  }
0x52: {  	[sflag:s25] =	ssyncadd.s32 $0xFFFFE000  }
0x53: {  	[hbm4b:s1+s2] =	stream.linear.scatter [tilespmem:s18], [sflag:$0x7], $0x2000, $0x38;
	[tilespmem:$0xB400] =	vst v63  }
0x54: {  	_ =	swait.ge [sflag:s26], $0x2000  }
0x55: {  	[sflag:s26] =	ssyncset.done $0x0  }
0x56: {  	s4 =	sadd.s32 $0x300, s19;
	[sflag:s26] =	ssyncadd.s32 $0xFFFFE000  }
0x57: {  	[tilespmem:s18], [sflag:$0x3] =	stream.indirect.gather [hbm4b:s3+s14], $0x40, s4, s14, $0xb8;
	[tilespmem:$0xB400] =	vst v63  }
0x58: {  	_ =	swait.ge [sflag:s28], $0x2000  }
0x59: {  	[sflag:s28] =	ssyncset.done $0x0  }
.Ltmp0:
0x5a: {  	[sflag:s28] =	ssyncadd.s32 $0xFFFFE000;
	(pc) =	sbr.rel @p0 .LBB2_2-.Ltmp0, $4  }
0x5b: {  	[hbm4b:s17+s2] =	stream.linear.scatter [tilespmem:s20], [sflag:$0x8], $0x2000, $0x38;
	[tilespmem:$0xB400] =	vst v63  }
0x5c: {  	_ =	swait.ge [sflag:s29], $0x2000  }
0x5d: {  	s0 =	sadd.s32 $0x1000, s0;
	s1 =	sadd.s32 $0x1000, s1;
	[sflag:s29] =	ssyncset.done $0x0  }
0x5e: {  	s19 =	sadd.s32 $0x380, s19;
	s17 =	sadd.s32 $0x1000, s17;
	[sflag:s29] =	ssyncadd.s32 $0xFFFFE000  }
0x5f: {  	[tilespmem:s20], [sflag:$0x4] =	stream.indirect.gather [hbm4b:s3+s14], $0x40, s19, s14, $0xb8;
	[tilespmem:$0xB400] =	vst v63  }
0x60: {  	_ =	swait.ge [sflag:s21], $0x2000  }
0x61: {  	[sflag:s21] =	ssyncset.done $0x0  }
0x62: {  	[sflag:s21] =	ssyncadd.s32 $0xFFFFE000  }
0x63: {  	[hbm4b:s5+s2] =	stream.linear.scatter [tilespmem:s15], [sflag:$0x5], $0x2000, $0x38;
	[tilespmem:$0xB400] =	vst v63  }
0x64: {  	_ =	swait.ge [sflag:s22], $0x2000  }
0x65: {  	[sflag:s22] =	ssyncset.done $0x0  }
0x66: {  	[sflag:s22] =	ssyncadd.s32 $0xFFFFE000  }
0x67: {  	_ =	swait.ge [sflag:s23], $0x2000  }
0x68: {  	[sflag:s23] =	ssyncset.done $0x0  }
0x69: {  	[sflag:s23] =	ssyncadd.s32 $0xFFFFE000  }
0x6a: {  	[hbm4b:s6+s2] =	stream.linear.scatter [tilespmem:s16], [sflag:$0x6], $0x2000, $0x38;
	[tilespmem:$0xB400] =	vst v63  }
0x6b: {  	_ =	swait.ge [sflag:s24], $0x2000  }
0x6c: {  	[sflag:s24] =	ssyncset.done $0x0  }
0x6d: {  	[sflag:s24] =	ssyncadd.s32 $0xFFFFE000  }
0x6e: {  	_ =	swait.ge [sflag:s25], $0x2000  }
0x6f: {  	[sflag:s25] =	ssyncset.done $0x0  }
0x70: {  	[sflag:s25] =	ssyncadd.s32 $0xFFFFE000  }
0x71: {  	[hbm4b:s7+s2] =	stream.linear.scatter [tilespmem:s18], [sflag:$0x7], $0x2000, $0x38;
	[tilespmem:$0xB400] =	vst v63  }
0x72: {  	_ =	swait.ge [sflag:s26], $0x2000  }
0x73: {  	[sflag:s26] =	ssyncset.done $0x0  }
0x74: {  	[sflag:s26] =	ssyncadd.s32 $0xFFFFE000  }
0x75: {  	s30 =	sadd.s32 $0x1, s30;
	_ =	swait.ge [sflag:s28], $0x2000  }
0x76: {  	p0 =	sne.s32 s30, s9;
	[sflag:s28] =	ssyncset.done $0x0  }
.Ltmp1:
0x77: {  	[sflag:s28] =	ssyncadd.s32 $0xFFFFE000;
	(pc) =	sbr.rel @p0 .LBB2_1-.Ltmp1, $4  }
0x78: {  	[hbm4b:s8+s2] =	stream.linear.scatter [tilespmem:s20], [sflag:$0x8], $0x2000, $0x38;
	[tilespmem:$0xB400] =	vst v63  }
0x79: {  	_ =	swait.ge [sflag:s29], $0x2000  }
0x7a: {  	[sflag:s29] =	ssyncset.done $0x0  }
0x7b: {  	[sflag:s29] =	ssyncadd.s32 $0xFFFFE000  }
0x7c: {  	_ =	sfence.sel $0x180000  }
0x7d: {  	[bflag:$0x0] =	sbarrier.arrive $0xFFFF  }
0x7e: {  	_ =	strace $0x90000047  }
0x7f: {  	s0 =	stileid.u32;
	[bflag:$0x2] =	sbarrier.arrive $0xFFFF  }
0x80: {  	p0 =	sne.s32 s0, $0x0;
	s0 =	rddreg [dreg:$0x2]  }
0x81: {  	s0 =	sadd.s32 @!p0 $0x100000, s0  }
0x82: {  	[sflag:s0] =	ssyncadd.tile.s32 @!p0 $0x1;
	_ =	shalt  }
.Lfunc_end2:
_tile_overlayer_lowered:
.L_overlay_start_2:
0x83: {  	(tag) =	ssettag $0x2  }
0x84: {  	s0 =	rddreg [dreg:$0x0];
	s2 =	stileid.u32  }
0x85: {  	s1 =	rddreg [dreg:$0x1];
	p0 =	sne.s32 s2, $0x0  }
0x86: {  	s3 =	rddreg [dreg:$0x2];
	[bflag:$0x3] =	sbarrier.arrive $0xFFFF;
	s2 =	simm.s32 @!p0 $0x1C09  }
0x87: {  	[timem:s3], [sflag:s2] =	dma.local @!p0 [hbm:s0], s1  }
0x88: {  	s0 =	simm.s32 @!p0 $0x9  }
0x89: {  	_ =	swait.ge @!p0 [sflag:s0], s1  }
0x8a: {  	s1 =	ssub.s32 @!p0 $0x0, s1;
	[sflag:s0] =	ssyncset.done @!p0 $0x0  }
0x8b: {  	[sflag:s0] =	ssyncadd.s32 @!p0 s1  }
0x8c: {  	[bflag:$0x3] =	sbarrier.arrive $0xFFFF  }
0x8d: {  	_ =	shalt  }

// kernel: sparse-core-data-format-call.cloned.1.call-start
scs
called_computation_lowered:
.L_overlay_start_0:
0x0: {  	s2 =	sld [smem:$0x3FD9]  }
0x1: {  	s3 =	sld [smem:$0x3FFE];
	_ =	sdelay $0x1  }
0x2: {  	s1 =	srdreg.scid  }
0x3: {  	s0 =	sand.u32 $0x1, s1  }
0x4: {  	s18 =	sshll.u32 s0, $0xA;
	s2 =	sadd.s32 s3, s2  }
0x5: {  	s2 =	sadd.s32 s2, s18  }
0x6: {  	[smem:$0x3FC6] =	sst s2  }
0x7: {  	_ = 	snop  }
0x8: {  	s2 =	sld [smem:$0x3FD0];
	(tm) =	ssettm $0x1  }
0x9: {  	s19 =	sld [smem:$0x3FFB];
	_ =	sdelay $0x3  }
0xa: {  	_ =	strace s19  }
0xb: {  	s3 =	sld [smem:$0x3FFC];
	_ =	sdelay $0x3  }
0xc: {  	_ =	strace s3  }
0xd: {  	s3 =	sld [smem:$0x3FFD];
	_ =	sdelay $0x3  }
0xe: {  	_ =	strace s3  }
0xf: {  	_ =	strace $0x8FFFFFFF  }
0x10: {  	s20 =	sld [smem:$0x3FDB];
	_ =	sdelay $0x1  }
0x11: {  	s4 =	simm.s32 $_scs_section_size  }
0x12: {  	s5 =	simm.s32 $_size__tile_overlayer_lowered;
	s6 =	simm.s32 $_tile_overlayer_lowered  }
0x13: {  	s23 =	simm.s32 $0x1BFF;
	s22 =	sshll.u32 s6, $0x1;
	s3 =	sadd.s32 s4, s20  }
0x14: {  	s7 =	simm.s32 $0x0;
	s21 =	sshll.u32 s5, $0x1;
	s5 =	sadd.s32 s22, s3  }
0x15: {  	[timem:s7], [sflag:s23] =	dma.local [hbm:s5], s21  }
0x16: {  	_ =	swait.ge [sflag:s23], s21  }
0x17: {  	s4 =	ssub.s32 $0x0, s21;
	[sflag:s23] =	ssyncset.done $0x0  }
0x18: {  	[sflag:s23] =	ssyncadd.s32 s4;
	_ =	sdelay $0x1  }
0x19: {  	s24 =	simm.s32 $0x1B8B  }
0x1a: {  	_ =	swait.ge [sflag:s24], $0x1  }
0x1b: {  	[sflag:s24] =	ssyncset.done $0x0  }
0x1c: {  	s26 =	simm.s32 $0x1B8E;
	s25 =	sld [smem:$0x3FFE];
	[sflag:s24] =	ssyncadd.s32 $0xFFFFFFFF  }
0x1d: {  	s27 =	simm.s32 $execute0_lowered;
	[smem:$0x3FD2] =	sst s26  }
0x1e: {  	s5 =	sshll.u32 s27, $0x1;
	_ =	strace $0x80000049;
	[dreg:$0x1] =	wrdreg $0xFFFFFFFF  }
0x1f: {  	s28 =	simm.s32 $_size_execute0_lowered;
	s3 =	sadd.s32 s3, s5;
	[dreg:$0x0] =	wrdreg $0x0  }
0x20: {  	s5 =	sshll.u32 s28, $0x1;
	[dreg:$0x2] =	wrdreg s3  }
0x21: {  	[dreg:$0x3] =	wrdreg s5  }
0x22: {  	[dreg:$0x4] =	wrdreg $0xC0  }
0x23: {  	_ =	task [dreg:s7], $0x5FFFF  }
0x24: {  	[dreg:$0x1] =	wrdreg $0xFFFFFFFF  }
0x25: {  	[dreg:$0x0] =	wrdreg $0x60  }
0x26: {  	[dreg:$0x2] =	wrdreg s25  }
0x27: {  	[dreg:$0x3] =	wrdreg s2  }
0x28: {  	[dreg:$0x4] =	wrdreg $0x9  }
0x29: {  	_ =	task.clear_ibuf [dreg:s7], $0x5FFFF;
	_ =	strace $0x90000049  }
0x2a: {  	s29 =	simm.s32 $0x9;
	_ =	strace $0x8000004B  }
0x2b: {  	_ =	swait.ge [sflag:s29], $0x1  }
0x2c: {  	[sflag:s29] =	ssyncadd.s32 $0xFFFFFFFF  }
0x2d: {  	_ =	strace $0x9000004B  }
0x2e: {  	_ =	sfence  }
0x2f: {  	s30 =	sld [smem:$0x0];
	_ =	sdelay $0x2  }
0x30: {  	s31 =	sshll.u32 s1, $0xD;
	s1 =	sshrl.u32 s1, $0x2  }
0x31: {  	s3 =	sand.u32 $0x4000, s31;
	s1 =	sadd.s32 s1, s30  }
0x32: {  	s0 =	sor.u32 s3, s0;
	s1 =	sshll.u32 s1, $0x11  }
0x33: {  	s0 =	sor.u32 s1, s0  }
0x34: {  	s0 =	sadd.s32 $0x8F2B, s0  }
0x35: {  	[sflag:s0] =	ssyncadd.remote.s32 $0x1  }
0x36: {  	_ =	sfence.sel $0xFFFF  }
0x37: {  	[dreg:$0x0] =	wrdreg $0xFFFFFFFF;
	(pc) =	sbr.abs _section_cstart, $3  }
0x38: {  	[dreg:$0x1] =	wrdreg $0xFFFFFFFF  }
0x39: {  	_ =	task.clear_ibuf [dreg:s7], $0x2FFFF;
	_ =	strace $0x9FFFFFFF  }
0x3a: {  	(tm) =	ssettm $0x7FFFFFFF  }
0x3b: {  	_ =	shalt  }
tec
execute0_lowered:
.L_overlay_start_1:
0x0: {  	(tag) =	ssettag $0x1  }
0x1: {  	s0 =	srdreg.scid  }
0x2: {  	s1 =	sshll.u32 s0, $0x4  }
0x3: {  	s0 =	stileid.u32;
	s1 =	sand.u32 $0x10, s1  }
0x4: {  	s1 =	sor.u32 s0, s1  }
0x5: {  	s6 =	rddreg [dreg:$0x0];
	s4 =	simm.s32 $0x1;
	s2 =	sshll.u32 s1, $0x7  }
0x6: {  	s7 =	simm.s32 $0x2;
	s12 =	simm.s32 $0x0;
	s1 =	ssub.s32 $0x4000, s2  }
0x7: {  	s8 =	simm.s32 $0x20000;
	s13 =	simm.s32 $0x0;
	s3 =	sand.u32 $0xF80, s1  }
0x8: {  	s9 =	simm.s32 $0x0;
	s5 =	sshrl.u32 s1, $0xC;
	p0 =	sne.s32 s3, $0x0  }
.Ltmp0:
0x9: {  	s1 =	rddreg [dreg:$0x2];
	s4 =	simm.s32 @!p0 $0x0;
	(pc) =	sbr.rel .LBB1_1-.Ltmp0, $4  }
0xa: {  	s11 =	simm.s32 $0x0;
	s3 =	rddreg [dreg:$0x1];
	s5 =	sadd.s32 s4, s5  }
0xb: {  	_ =	strace $0x8000004A;
	s4 =	simm.s32 $0x1;
	s5 =	smul.u32 $0x1A, s5  }
0xc: {  	s6 =	sadd.s32 $0xA00, s6;
	s10 =	smov.u32 s2;
	[sflag:s4] =	ssyncpa.u1 $0x0  }
0xd: {  	p0 =	por $0x0, $0x0;
	[sflag:s7] =	ssyncpa.u1 $0x0;
	s7 =	sor.u32 $0x1, s5  }
.LBB1_4:
0xe: {  	s16 =	sshll.u32 s13, $0x3;
	s17 =	sand.u32 $0x78, s13  }
0xf: {  	s30 =	sand.u32 $0x1F800, s13;
	s12 =	sshll.u32 s12, $0x11;
	s16 =	sand.u32 $0x3C00, s16  }
0x10: {  	[tilespmem:s15+$0x810 ss:$0x81] =	vst.msk $0xffff, v2;
	s31 =	sand.u32 $0x7, s13;
	s16 =	sor.u32 s17, s16;
	s17 =	sadd.s32 s3, s30  }
0x11: {  	[tilespmem:s15+$0x1020 ss:$0x81] =	vst.msk $0xffff, v0;
	s13 =	sshll.u32 s31, $0x12;
	s12 =	sadd.s32 s12, s17;
	s16 =	sshrl.u32 s16, $0x3  }
0x12: {  	[tilespmem:s15+$0x0 ss:$0x81] =	vst.msk $0xffff, v1;
	s13 =	sor.u32 $0x400, s13;
	s12 =	sadd.s32 s16, s12  }
0x13: {  	[hbm4b:s12+s13] =	stream.strided.scatter [tilespmem:s14], [sflag:$0x2], $0x2000, s8, s13, $0x20;
	[tilespmem:$0x8080] =	vst v63  }
.LBB1_5:
0x14: {  	s14 =	sadd.s32 $0x1, s9  }
0x15: {  	s12 =	sadd.s32 $0x1000, s10;
	s16 =	smov.u32 s10;
	p2 =	sgt.s32 s14, $0x19  }
0x16: {  	s16 =	smov.u32 @p2 s12  }
0x17: {  	s14 =	simm.s32 @p2 $0x0;
	p2 =	sgt.s32 s16, $0x3FFF  }
0x18: {  	s16 =	smov.u32 @p2 s2;
	p2 =	sne.s32 s11, s7  }
.Ltmp1:
0x19: {  	p1 =	slt.u32 s11, $0x2;
	(pc) =	sbr.rel @!p2 .LBB1_6-.Ltmp1, $4  }
0x1a: {  	s15 =	simm.s32 @!p1 $0x2  }
0x1b: {  	s13 =	smov.u32 s10;
	p0 =	por !p0, !p0;
	_ =	swait.ge @!p1 [sflag:s15], $0x2000  }
0x1c: {  	s12 =	smov.u32 s9;
	[sflag:s15] =	ssyncset.done @!p1 $0x0;
	s9 =	smov.u32 s14  }
0x1d: {  	s11 =	sadd.s32 $0x1, s11;
	[sflag:s15] =	ssyncadd.s32 @!p1 $0xFFFFE000;
	s10 =	smov.u32 s16  }
.LBB1_1:
0x1e: {  	p1 =	sge.u32 s11, s5  }
0x1f: {  	s31 =	sadd.s32 $0xFFFFFFFF, s11;
	s14 =	sxor.u32 @!p1 $0xFFFFFFFF, s11  }
0x20: {  	s15 =	sshll.u32 @!p1 s10, $0x9;
	s16 =	sshll.u32 @!p1 s9, $0x4;
	s17 =	simm.s32 @!p1 $0x1000  }
0x21: {  	s14 =	sshll.u32 @!p1 s14, $0xD;
	s16 =	sand.u32 @!p1 $0x1F0, s16;
	s15 =	sadd.s32 @!p1 s6, s15  }
0x22: {  	s14 =	sand.u32 @!p1 $0x2000, s14;
	s15 =	sadd.s32 @!p1 s16, s15;
	s16 =	simm.s32 @!p1 $0x40  }
0x23: {  	[tilespmem:s14], [sflag:$0x1] =	stream.strided.gather @!p1 [hbm4b:s15+s16], $0x2000, s17, s16, $0x38;
	[tilespmem:$0x8080] =	vst v63  }
0x24: {  	p1 =	sge.u32 s31, s5  }
.Ltmp2:
0x25: {  	_ = 	snop;
	(pc) =	sbr.rel @p1 .LBB1_5-.Ltmp2, $1  }
0x26: {  	_ =	sdelay $0x3  }
0x27: {  	s14 =	simm.s32 $0x1  }
0x28: {  	_ =	swait.ge [sflag:s4], $0x2000;
	s14 =	simm.s32 @!p0 $0x0  }
0x29: {  	[sflag:s4] =	ssyncset.done $0x0;
	s15 =	sshll.u32 s14, $0xD  }
0x2a: {  	[sflag:s4] =	ssyncadd.s32 $0xFFFFE000;
	s18 =	sor.u32 $0x20, s15  }
0x2b: {  	s14 =	smul.u32 $0x8100, s14;
	v3 =	vld [tilespmem:s18+$0x10]  }
0x2c: {  	s30 =	sand.u32 $0x1, s11;
	v2 =	vld [tilespmem:s18+$0xFFFFFFF0]  }
0x2d: {  	s15 =	smul.u32 $0x8100, s30;
	s14 =	sshrl.u32 s14, $0x2;
	v0 =	vld [tilespmem:s18+$0x0]  }
0x2e: {  	v1 =	vld [tilespmem:s18+$0xFFFFFFE0];
	s16 =	sor.u32 $0x4000, s14  }
0x2f: {  	s31 =	sshrl.u32 s15, $0x2;
	s15 =	sadd.s32 $0x0, s16  }
0x30: {  	s17 =	simm.s32 $0x4;
	s18 =	sadd.s32 $0x40, s18;
	s14 =	sor.u32 $0x4000, s31;
	[tilespmem:s15+$0x1830 ss:$0x81] =	vst.msk $0xffff, v3  }
.LBB1_3:
0x31: {  	v3 =	vld [tilespmem:s18+$0x10];
	p1 =	sne.s32 s17, $0x1FC;
	[tilespmem:s15+$0x810 ss:$0x81] =	vst.msk $0xffff, v2;
	s19 =	smov.u32 s17;
	s17 =	sadd.s32 $0x4, s17  }
.Ltmp3:
0x32: {  	v2 =	vld [tilespmem:s18+$0xFFFFFFF0];
	[tilespmem:s15+$0x1020 ss:$0x81] =	vst.msk $0xffff, v0;
	(pc) =	sbr.rel @p1 .LBB1_3-.Ltmp3, $4  }
0x33: {  	v0 =	vld [tilespmem:s18+$0x0];
	[tilespmem:s15+$0x0 ss:$0x81] =	vst.msk $0xffff, v1  }
0x34: {  	s15 =	sshra.s32 s19, $0x2;
	v1 =	vld [tilespmem:s18+$0xFFFFFFE0]  }
0x35: {  	s15 =	sadd.s32 s15, s16  }
0x36: {  	s18 =	sadd.s32 $0x40, s18;
	[tilespmem:s15+$0x1830 ss:$0x81] =	vst.msk $0xffff, v3  }
.Ltmp4:
0x37: {  	_ = 	snop;
	(pc) =	sbr.rel .LBB1_4-.Ltmp4, $1  }
0x38: {  	_ =	sdelay $0x3  }
.LBB1_6:
0x39: {  	_ =	sfence.sel $0x180000  }
0x3a: {  	s2 =	simm.s32 $0x1;
	[bflag:$0x0] =	sbarrier.arrive $0xFFFF  }
0x3b: {  	s31 =	simm.s32 $0x2;
	[sflag:s2] =	ssyncpa.u1 $0x1  }
0x3c: {  	[sflag:s31] =	ssyncpa.u1 $0x1  }
0x3d: {  	p0 =	sne.s32 s0, $0x0;
	_ =	strace $0x9000004A  }
0x3e: {  	s0 =	sadd.s32 @!p0 $0x100000, s1;
	[bflag:$0x2] =	sbarrier.arrive $0xFFFF  }
0x3f: {  	[sflag:s0] =	ssyncadd.tile.s32 @!p0 $0x1;
	_ =	shalt  }
.Lfunc_end1:
_tile_overlayer_lowered:
.L_overlay_start_2:
0x40: {  	(tag) =	ssettag $0x2  }
0x41: {  	s0 =	rddreg [dreg:$0x0];
	s2 =	stileid.u32  }
0x42: {  	s1 =	rddreg [dreg:$0x1];
	p0 =	sne.s32 s2, $0x0  }
0x43: {  	s3 =	rddreg [dreg:$0x2];
	[bflag:$0x3] =	sbarrier.arrive $0xFFFF;
	s2 =	simm.s32 @!p0 $0x1C01  }
0x44: {  	[timem:s3], [sflag:s2] =	dma.local @!p0 [hbm:s0], s1  }
0x45: {  	s0 =	simm.s32 @!p0 $0x1  }
0x46: {  	_ =	swait.ge @!p0 [sflag:s0], s1  }
0x47: {  	s1 =	ssub.s32 @!p0 $0x0, s1;
	[sflag:s0] =	ssyncset.done @!p0 $0x0  }
0x48: {  	[sflag:s0] =	ssyncadd.s32 @!p0 s1  }
0x49: {  	[bflag:$0x3] =	sbarrier.arrive $0xFFFF  }
0x4a: {  	_ =	shalt  }

</sc_bundles>
